<compile_context>
chip_gen: v7x
topology: tpu7x:2x2x1
jax: 0.10.2.dev20260603
libtpu: 0.0.44.dev20260713+nightly
codegen_flags: <defaults>
</compile_context>

<pallas_src>
import math

import jax
import jax.numpy as jnp
from jax import lax
from jax.experimental import pallas as pl
from jax.experimental.pallas import tpu as pltpu
from jax.experimental.pallas import tpu_sc as plsc

N = 256
NSV = 2
DT = 0.1
NH = 64
STEPS = 10
CHUNKS = 100
T = STEPS * CHUNKS
SIGMA = 0.01
TAU = 10.0
DELTA = 0.7

NTILES = 16
LANES = 16
RING = 128
RING_SZ = RING * N
RING_MASK = RING_SZ - 1

_PT = math.pi * TAU
_C0 = DELTA / (math.pi * TAU)

_B_E0 = 0.4
_B_TE = 0.04
_B_EPS = 0.5
_B_K1 = 4.3 * 40.3 * _B_E0 * _B_TE
_B_K2 = _B_EPS * 25.0 * _B_E0 * _B_TE
_B_K3 = 1.0 - _B_EPS
_B_KAPPA = 1.0 / 0.65
_B_GAMMA = 1.0 / 0.41
_B_TAU = 0.98
_B_IALPHA = 1.0 / 0.32
_B_V0 = 4.0
_LN_1ME0 = math.log(1.0 - _B_E0)
BOLD_DT = 0.01


def _sc_body(comb_hbm, noise_hbm, par_hbm, ring_hbm, rv_hbm,
             ring_v, comb_v, noise_v, rv_v, par_v, myr_v,
             shared_v, sem):
    wid = lax.axis_index("s")

    pltpu.sync_copy(comb_hbm.at[wid], comb_v)
    pltpu.sync_copy(noise_hbm.at[wid], noise_v)
    pltpu.sync_copy(par_hbm.at[wid], par_v)
    pltpu.sync_copy(ring_hbm, ring_v)

    eta = par_v[pl.ds(0, 16)]
    jtau = par_v[pl.ds(16, 16)]
    r0 = par_v[pl.ds(32, 16)]
    v0 = par_v[pl.ds(48, 16)]
    gv = par_v[pl.ds(64, 16)]

    row_iota = lax.iota(jnp.int32, LANES)

    def gather_c(off):
        def grow(row, cvec):
            base = row * N
            acc = jnp.zeros((LANES,), jnp.float32)
            for jc in range(N // LANES):
                wv = comb_v[pl.ds(base + jc * LANES, LANES)]
                iv = ((wv & 0xFFFF) + off) & RING_MASK
                gvals = plsc.load_gather(ring_v, [iv])
                wgt = plsc.bitcast(wv & -65536, jnp.float32)
                acc = acc + wgt * gvals
            return jnp.where(row_iota == row, jnp.sum(acc), cvec)

        return lax.fori_loop(0, LANES, grow,
                             jnp.zeros((LANES,), jnp.float32))

    c0 = gather_c(0)

    def step(s, carry):
        r, v, c_cur = carry
        nzr = noise_v[pl.ds(s * 32, 16)]
        nzv = noise_v[pl.ds(s * 32 + 16, 16)]
        ci1 = gv * c_cur
        dr1 = (_C0 + 2.0 * r * v) / TAU
        pt = _PT * r
        dv1 = (v * v + eta + jtau * r + ci1 - pt * pt) / TAU
        xi_r = jnp.clip(r + DT * dr1 + nzr, 0.0, 10.0)
        xi_v = jnp.clip(v + DT * dv1 + nzv, -60.0, 60.0)
        dr2 = (_C0 + 2.0 * xi_r * xi_v) / TAU
        nr = jnp.clip(r + DT * 0.5 * (dr1 + dr2) + nzr, 0.0, 10.0)
        myr_v[...] = nr
        par = (s + 1) & 1
        cp = pltpu.make_async_copy(
            myr_v, shared_v.at[par, pl.ds(wid * LANES, LANES)], sem)
        cp.start()
        c_next = gather_c((s + 1) * N)
        cp.wait()
        plsc.subcore_barrier()
        slot = (s + 1) & (RING - 1)
        pltpu.sync_copy(shared_v.at[par], ring_v.at[pl.ds(slot * N, N)])
        ci2 = gv * c_next
        pt2 = _PT * xi_r
        dv2 = (xi_v * xi_v + eta + jtau * xi_r + ci2 - pt2 * pt2) / TAU
        nv = jnp.clip(v + DT * 0.5 * (dv1 + dv2) + nzv, -60.0, 60.0)
        rv_v[pl.ds(s * 32, 16)] = nr
        rv_v[pl.ds(s * 32 + 16, 16)] = nv
        return nr, nv, c_next

    lax.fori_loop(0, T, step, (r0, v0, c0))
    pltpu.sync_copy(rv_v, rv_hbm.at[wid])


def _make_sc_call():
    mesh = plsc.VectorSubcoreMesh(core_axis_name="c", subcore_axis_name="s",
                                  num_cores=1)
    return pl.kernel(
        _sc_body,
        out_type=jax.ShapeDtypeStruct((NTILES, T * 2 * LANES), jnp.float32),
        mesh=mesh,
        scratch_types=[
            pltpu.VMEM((RING_SZ,), jnp.float32),
            pltpu.VMEM((N * LANES,), jnp.int32),
            pltpu.VMEM((T * 2 * LANES,), jnp.float32),
            pltpu.VMEM((T * 2 * LANES,), jnp.float32),
            pltpu.VMEM((5 * LANES,), jnp.float32),
            pltpu.VMEM((LANES,), jnp.float32),
            pltpu.VMEM_SHARED((2, N), jnp.float32),
            pltpu.SemaphoreType.DMA,
        ],
        compiler_params=pltpu.CompilerParams(needs_layout_passes=False),
    )


def _bold_body(rv_ref, out_ref, st_ref):
    st_ref[...] = jnp.ones((4, N), jnp.float32)

    def dfun(s_, f_, v_, q_, x):
        vpow = jnp.exp(_B_IALPHA * jnp.log(v_))
        ds = x - _B_KAPPA * s_ - _B_GAMMA * (f_ - 1.0)
        dv = (f_ - vpow) / _B_TAU
        dq = (f_ * (1.0 - jnp.exp(_LN_1ME0 / f_)) / _B_E0
              - vpow * q_ / v_) / _B_TAU
        return ds, s_, dv, dq

    def step(t, tok):
        st = (st_ref[0:1, :], st_ref[1:2, :], st_ref[2:3, :], st_ref[3:4, :])
        x = rv_ref[pl.ds(t, 1), :]
        d1 = dfun(*st, x)
        xi = tuple(a + BOLD_DT * d for a, d in zip(st, d1))
        d2 = dfun(*xi, x)
        new = [a + BOLD_DT * 0.5 * (da + db)
               for a, da, db in zip(st, d1, d2)]
        st_ref[...] = jnp.concatenate(new, axis=0)
        return tok

    lax.fori_loop(0, T, step, 0)
    v_ = st_ref[2:3, :]
    q_ = st_ref[3:4, :]
    out_ref[...] = _B_V0 * (_B_K1 * (1.0 - q_) + _B_K2 * (1.0 - q_ / v_)
                            + _B_K3 * (1.0 - v_))


def _precompute(region_pars, Wt, stimulus, lags, g):
    key = jax.random.PRNGKey(42)
    ic = jnp.concatenate([
        jax.random.uniform(key, (N, 1), minval=0.1, maxval=2.0),
        jax.random.uniform(key, (N, 1), minval=-2.0, maxval=1.5)
    ], axis=1)
    keys = jax.random.split(key, CHUNKS)

    def mk_noise(ckey):
        dw = jax.random.normal(ckey, (STEPS, NSV, N)).transpose(0, 2, 1)
        return SIGMA * (DT ** 0.5) * dw

    noise = jax.vmap(mk_noise)(keys).reshape(T, N, NSV).astype(jnp.float32)
    noise = noise.at[:, 0, 1].add(stimulus * (DT / TAU))
    noise_t = (noise.reshape(T, NTILES, LANES, NSV)
               .transpose(1, 0, 3, 2).reshape(NTILES, T * 2 * LANES))

    w = Wt[:, :, 0]
    cols = jnp.arange(N, dtype=jnp.int32)[None, :]
    idx0 = ((RING - lags) * N + cols).astype(jnp.int32)
    wbits = lax.bitcast_convert_type(
        w.astype(jnp.float32).astype(jnp.bfloat16), jnp.uint16
    ).astype(jnp.int32)
    comb = idx0 | (wbits << 16)
    comb_t = comb.reshape(NTILES, N * LANES)

    par = jnp.stack([
        region_pars[:, 0],
        region_pars[:, 1] * TAU,
        ic[:, 0],
        ic[:, 1],
        jnp.full((N,), g[0], jnp.float32),
    ], axis=0)
    par_t = (par.reshape(5, NTILES, LANES).transpose(1, 0, 2)
             .reshape(NTILES, 5 * LANES)).astype(jnp.float32)

    ring_init = jnp.tile(ic[:, 0].astype(jnp.float32), RING)
    return comb_t, noise_t, par_t, ring_init


def kernel(region_pars, Wt, stimulus, lags, g):
    comb_t, noise_t, par_t, ring_init = _precompute(
        region_pars, Wt, stimulus, lags, g)
    rv_flat = _make_sc_call()(comb_t, noise_t, par_t, ring_init)
    rv = (rv_flat.reshape(NTILES, T, NSV, LANES)
          .transpose(1, 0, 3, 2).reshape(T, N, NSV))
    bold = pl.pallas_call(
        _bold_body,
        out_shape=jax.ShapeDtypeStruct((1, N), jnp.float32),
        scratch_shapes=[pltpu.VMEM((4, N), jnp.float32)],
    )(rv[:, :, 0])
    return rv, bold.reshape(1, N, 1)

# --- scband reference (transcript-rebuilt; emitter-appended) ---
"""Pipeline reference for scband-tvb-30983894073957 (READ-ONLY COPY).

The authoritative reference and input builder live on the scoring server;
editing this copy changes nothing except your own understanding.
"""

import jax, jax.numpy as jnp
import numpy as np
from collections import namedtuple

N = 256
NSV = 2
DT = 0.1
NH = 64
STEPS = int(1.0 / DT)
CHUNKS = 100
SIM_LEN = 1
TAVG = 1
BOLD_BUF = 1000
BOLD_DT = 0.01
NODE_STIM = 0
SIGMA = 0.01

BoldTheta = namedtuple('BoldTheta', 'kappa gamma tau alpha E0 v0 k1 k2 k3')

def make_bold_theta():
    E0 = 0.4
    te = 0.04
    epsilon = 0.5
    k1 = 4.3 * 40.3 * E0 * te
    k2 = epsilon * 25.0 * E0 * te
    k3 = 1.0 - epsilon
    return BoldTheta(kappa=1.0 / 0.65, gamma=1.0 / 0.41, tau=0.98, alpha=0.32, E0=E0, v0=4.0, k1=k1, k2=k2, k3=k3)

def setup_inputs():
    key = jax.random.PRNGKey(0)
    k1, k2, k3, k4, k5 = jax.random.split(key, 5)
    eta = -4.6 + 0.1 * jax.random.normal(k1, (N, 1))
    J = 14.5 * jnp.ones((N, 1))
    region_pars = jnp.concatenate([eta, J], axis=1).astype(jnp.float32)
    W = jax.random.uniform(k2, (N, N))
    W = W / W.sum(axis=1, keepdims=True)
    Wt = W[:, :, None].astype(jnp.float32)
    lags = jax.random.randint(k3, (N, N), 1, NH + 1).astype(jnp.int32)
    stimulus = (0.05 * jax.random.uniform(k4, (SIM_LEN * CHUNKS * STEPS,))).astype(jnp.float32)
    g = jnp.array([0.5], dtype=jnp.float32)
    return {'region_pars': region_pars, 'Wt': Wt, 'stimulus': stimulus, 'lags': lags, 'g': g}

def _forward(region_pars, Wt, stimulus, g, lags):
    theta = make_bold_theta()
    gval = g[0]
    ixf = jnp.tile(jnp.arange(N), (N, 1))

    def mpr_dfun(x, rp, cI):
        r = x[:, 0:1]
        V = x[:, 1:2]
        eta = rp[:, 0:1]
        J = rp[:, 1:2]
        tau = 10.0
        Delta = 0.7
        dr = (Delta / (jnp.pi * tau) + 2.0 * r * V) / tau
        dV = (V * V + eta + J * tau * r + cI - (jnp.pi * tau * r) ** 2) / tau
        return jnp.concatenate([dr, dV], axis=1)

    def adhoc(x):
        r = jnp.clip(x[:, 0:1], 0.0, 10.0)
        V = jnp.clip(x[:, 1:2], -60.0, 60.0)
        return jnp.concatenate([r, V], axis=1)

    def delay_apply(t, buf):
        return (Wt * buf[t - lags, ixf, :]).sum(axis=1)

    def tvb_dfun(buf, x, t, stc):
        coupled = delay_apply(t, buf[..., :NSV])
        c = coupled[:, :1]
        return mpr_dfun(x, region_pars, gval * c + stc[:, 1:])

    def buffer_step(buf, xs):
        dWt, stc = xs
        t_step = stc[0, 0].astype(jnp.int32)
        x = buf[NH + t_step]
        d1 = tvb_dfun(buf, x, NH + t_step, stc)
        xi = adhoc(x + DT * d1 + dWt)
        d2 = tvb_dfun(buf, xi, NH + t_step + 1, stc)
        nx = adhoc(x + DT * 0.5 * (d1 + d2) + dWt)
        buf = buf.at[NH + t_step + 1].set(nx)
        return buf, nx

    def chunk(buf, xs):
        stim_chunk, ckey = xs
        buf = jnp.roll(buf, -STEPS, axis=0)
        dW = jax.random.normal(ckey, buf[NH + 1:].transpose(0, 2, 1).shape).transpose(0, 2, 1)
        noise = SIGMA * (DT ** 0.5) * dW
        buf = buf.at[NH + 1:].set(noise)
        dWt = buf[NH + 1:]
        t_count = jnp.tile(jnp.arange(STEPS, dtype=jnp.float32)[..., None, None], (N, 1))
        stim = jnp.zeros(t_count.shape)
        stim = stim.at[:, NODE_STIM, :].set(stim_chunk[..., None])
        stc = jnp.concatenate([t_count, stim], axis=2)
        buf, rv = jax.lax.scan(buffer_step, buf, (dWt, stc))
        rv = jnp.mean(rv.reshape(-1, TAVG, N, NSV), axis=1)
        return buf, rv

    def run_chunk(buf, xs):
        return jax.lax.scan(chunk, buf, xs)

    key = jax.random.PRNGKey(42)
    buf0 = jnp.zeros((NH + STEPS + 1, N, NSV))
    ic = jnp.concatenate([
        jax.random.uniform(key, (N, 1), minval=0.1, maxval=2.0),
        jax.random.uniform(key, (N, 1), minval=-2.0, maxval=1.5)
    ], axis=1)
    buf0 = buf0.at[STEPS:, :, :NSV].add(ic)
    keys = jax.random.split(key, SIM_LEN * CHUNKS).reshape(SIM_LEN, CHUNKS, 2)
    stim_rs = stimulus.reshape(SIM_LEN, CHUNKS, STEPS)
    buf, rv = jax.lax.scan(run_chunk, buf0, (stim_rs, keys))

    def bold_dfun(sfvq, x):
        s = sfvq[0]
        f = sfvq[1]
        v = sfvq[2]
        q = sfvq[3]
        ds = x - theta.kappa * s - theta.gamma * (f - 1.0)
        df = s
        dv = (f - v ** (1.0 / theta.alpha)) / theta.tau
        dq = (f * (1.0 - (1.0 - theta.E0) ** (1.0 / f)) / theta.E0 - (v ** (1.0 / theta.alpha)) * q / v) / theta.tau
        return jnp.stack([ds, df, dv, dq])

    def heun_step(x, xs):
        d1 = bold_dfun(x, xs)
        xi = x + BOLD_DT * d1
        d2 = bold_dfun(xi, xs)
        nx = x + BOLD_DT * 0.5 * (d1 + d2)
        return nx, x

    def bold_chunk(bbuf, rv_chunk):
        bbuf, _ = jax.lax.scan(heun_step, bbuf, rv_chunk)
        s = bbuf[0]
        f = bbuf[1]
        v = bbuf[2]
        q = bbuf[3]
        bold = theta.v0 * (theta.k1 * (1.0 - q) + theta.k2 * (1.0 - q / v) + theta.k3 * (1.0 - v))
        return bbuf, bold

    bbuf0 = jnp.ones((4, N, 1))
    rv_bold = rv[..., 0].reshape(-1, BOLD_BUF, N, 1)
    bbuf, bold = jax.lax.scan(bold_chunk, bbuf0, rv_bold)
    return rv.reshape(-1, N, NSV), bold

def reference(region_pars, Wt, stimulus, lags, g):
    return _forward(region_pars, Wt, stimulus, g, lags)

if __name__ == "__main__":
    import jax
    _d = setup_inputs()
    print(jax.jit(kernel)(*tuple(_d.values())))

</pallas_src>

<mosaic_0001>
#map = affine_map<(d0, d1) -> (0, 0)>
#map1 = affine_map<(d0, d1) -> (0)>
module attributes {stable_mosaic.version = 14 : i64} {
  func.func @_sc_body(%arg0: i32, %arg1: i32, %arg2: memref<16x4096xi32, #tpu.memory_space<hbm>>, %arg3: memref<16x32000xf32, #tpu.memory_space<hbm>>, %arg4: memref<16x80xf32, #tpu.memory_space<hbm>>, %arg5: memref<32768xf32, #tpu.memory_space<hbm>>, %arg6: memref<16x32000xf32, #tpu.memory_space<hbm>>, %arg7: memref<32768xf32, #tpu.memory_space<vmem>>, %arg8: memref<4096xi32, #tpu.memory_space<vmem>>, %arg9: memref<32000xf32, #tpu.memory_space<vmem>>, %arg10: memref<32000xf32, #tpu.memory_space<vmem>>, %arg11: memref<80xf32, #tpu.memory_space<vmem>>, %arg12: memref<16xf32, #tpu.memory_space<vmem>>, %arg13: memref<2x256xf32, #tpu.memory_space<vmem_shared>>, %arg14: memref<!tpu.dma_semaphore, #tpu.memory_space<semaphore_mem>>) attributes {dimension_semantics = [#tpu.dimension_semantics<core_parallel>, #tpu.dimension_semantics<subcore_parallel>], iteration_bounds = array<i64: 1, 16>, scalar_prefetch = 0 : i64, scratch_operands = 8 : i64, tpu.core_type = #tpu.core_type<sc_vector_subcore>, window_params = [{transform_indices = #map}, {transform_indices = #map}, {transform_indices = #map}, {transform_indices = #map1}, {transform_indices = #map}]} {
    "tpu.region"() ({
      %run_scoped3A = tpu.sem_alloc : memref<!tpu.dma_semaphore, #tpu.memory_space<semaphore_mem>>
      %dma_start3A = arith.constant 0 : i32
      %dma_start3A_21 = tpu.memref_slice %arg2[%arg1, %dma_start3A] : memref<16x4096xi32, #tpu.memory_space<hbm>> -> memref<1x4096xi32, #tpu.memory_space<hbm>>
      %dma_start3A_22 = tpu.memref_squeeze %dma_start3A_21 : memref<1x4096xi32, #tpu.memory_space<hbm>> -> memref<4096xi32, #tpu.memory_space<hbm>>
      %dma_start3A_23 = arith.constant 0 : i32
      %dma_start3A_24 = tpu.memref_slice %arg2[%arg1, %dma_start3A_23] : memref<16x4096xi32, #tpu.memory_space<hbm>> -> memref<1x4096xi32, #tpu.memory_space<hbm>>
      %dma_start3A_25 = tpu.memref_squeeze %dma_start3A_24 : memref<1x4096xi32, #tpu.memory_space<hbm>> -> memref<4096xi32, #tpu.memory_space<hbm>>
      tpu.enqueue_dma source(%dma_start3A_25 : memref<4096xi32, #tpu.memory_space<hbm>>) target(%arg8 : memref<4096xi32, #tpu.memory_space<vmem>>) target_semaphore(%run_scoped3A : memref<!tpu.dma_semaphore, #tpu.memory_space<semaphore_mem>>)
      %dma_wait3A = arith.constant 0 : i32
      %dma_wait3A_26 = tpu.memref_slice %arg2[%arg1, %dma_wait3A] : memref<16x4096xi32, #tpu.memory_space<hbm>> -> memref<1x4096xi32, #tpu.memory_space<hbm>>
      %dma_wait3A_27 = tpu.memref_squeeze %dma_wait3A_26 : memref<1x4096xi32, #tpu.memory_space<hbm>> -> memref<4096xi32, #tpu.memory_space<hbm>>
      %dma_wait3A_28 = arith.constant 0 : i32
      %dma_wait3A_29 = tpu.memref_slice %arg2[%arg1, %dma_wait3A_28] : memref<16x4096xi32, #tpu.memory_space<hbm>> -> memref<1x4096xi32, #tpu.memory_space<hbm>>
      %dma_wait3A_30 = tpu.memref_squeeze %dma_wait3A_29 : memref<1x4096xi32, #tpu.memory_space<hbm>> -> memref<4096xi32, #tpu.memory_space<hbm>>
      tpu.wait_dma2 semaphore(%run_scoped3A : memref<!tpu.dma_semaphore, #tpu.memory_space<semaphore_mem>>) src(%dma_wait3A_30 : memref<4096xi32, #tpu.memory_space<hbm>>) dst(%arg8 : memref<4096xi32, #tpu.memory_space<vmem>>)
      tpu.yield
    }) : () -> ()
    "tpu.region"() ({
      %run_scoped3A = tpu.sem_alloc : memref<!tpu.dma_semaphore, #tpu.memory_space<semaphore_mem>>
      %dma_start3A = arith.constant 0 : i32
      %dma_start3A_21 = tpu.memref_slice %arg3[%arg1, %dma_start3A] : memref<16x32000xf32, #tpu.memory_space<hbm>> -> memref<1x32000xf32, #tpu.memory_space<hbm>>
      %dma_start3A_22 = tpu.memref_squeeze %dma_start3A_21 : memref<1x32000xf32, #tpu.memory_space<hbm>> -> memref<32000xf32, #tpu.memory_space<hbm>>
      %dma_start3A_23 = arith.constant 0 : i32
      %dma_start3A_24 = tpu.memref_slice %arg3[%arg1, %dma_start3A_23] : memref<16x32000xf32, #tpu.memory_space<hbm>> -> memref<1x32000xf32, #tpu.memory_space<hbm>>
      %dma_start3A_25 = tpu.memref_squeeze %dma_start3A_24 : memref<1x32000xf32, #tpu.memory_space<hbm>> -> memref<32000xf32, #tpu.memory_space<hbm>>
      tpu.enqueue_dma source(%dma_start3A_25 : memref<32000xf32, #tpu.memory_space<hbm>>) target(%arg9 : memref<32000xf32, #tpu.memory_space<vmem>>) target_semaphore(%run_scoped3A : memref<!tpu.dma_semaphore, #tpu.memory_space<semaphore_mem>>)
      %dma_wait3A = arith.constant 0 : i32
      %dma_wait3A_26 = tpu.memref_slice %arg3[%arg1, %dma_wait3A] : memref<16x32000xf32, #tpu.memory_space<hbm>> -> memref<1x32000xf32, #tpu.memory_space<hbm>>
      %dma_wait3A_27 = tpu.memref_squeeze %dma_wait3A_26 : memref<1x32000xf32, #tpu.memory_space<hbm>> -> memref<32000xf32, #tpu.memory_space<hbm>>
      %dma_wait3A_28 = arith.constant 0 : i32
      %dma_wait3A_29 = tpu.memref_slice %arg3[%arg1, %dma_wait3A_28] : memref<16x32000xf32, #tpu.memory_space<hbm>> -> memref<1x32000xf32, #tpu.memory_space<hbm>>
      %dma_wait3A_30 = tpu.memref_squeeze %dma_wait3A_29 : memref<1x32000xf32, #tpu.memory_space<hbm>> -> memref<32000xf32, #tpu.memory_space<hbm>>
      tpu.wait_dma2 semaphore(%run_scoped3A : memref<!tpu.dma_semaphore, #tpu.memory_space<semaphore_mem>>) src(%dma_wait3A_30 : memref<32000xf32, #tpu.memory_space<hbm>>) dst(%arg9 : memref<32000xf32, #tpu.memory_space<vmem>>)
      tpu.yield
    }) : () -> ()
    "tpu.region"() ({
      %run_scoped3A = tpu.sem_alloc : memref<!tpu.dma_semaphore, #tpu.memory_space<semaphore_mem>>
      %dma_start3A = arith.constant 0 : i32
      %dma_start3A_21 = tpu.memref_slice %arg4[%arg1, %dma_start3A] : memref<16x80xf32, #tpu.memory_space<hbm>> -> memref<1x80xf32, #tpu.memory_space<hbm>>
      %dma_start3A_22 = tpu.memref_squeeze %dma_start3A_21 : memref<1x80xf32, #tpu.memory_space<hbm>> -> memref<80xf32, #tpu.memory_space<hbm>>
      %dma_start3A_23 = arith.constant 0 : i32
      %dma_start3A_24 = tpu.memref_slice %arg4[%arg1, %dma_start3A_23] : memref<16x80xf32, #tpu.memory_space<hbm>> -> memref<1x80xf32, #tpu.memory_space<hbm>>
      %dma_start3A_25 = tpu.memref_squeeze %dma_start3A_24 : memref<1x80xf32, #tpu.memory_space<hbm>> -> memref<80xf32, #tpu.memory_space<hbm>>
      tpu.enqueue_dma source(%dma_start3A_25 : memref<80xf32, #tpu.memory_space<hbm>>) target(%arg11 : memref<80xf32, #tpu.memory_space<vmem>>) target_semaphore(%run_scoped3A : memref<!tpu.dma_semaphore, #tpu.memory_space<semaphore_mem>>)
      %dma_wait3A = arith.constant 0 : i32
      %dma_wait3A_26 = tpu.memref_slice %arg4[%arg1, %dma_wait3A] : memref<16x80xf32, #tpu.memory_space<hbm>> -> memref<1x80xf32, #tpu.memory_space<hbm>>
      %dma_wait3A_27 = tpu.memref_squeeze %dma_wait3A_26 : memref<1x80xf32, #tpu.memory_space<hbm>> -> memref<80xf32, #tpu.memory_space<hbm>>
      %dma_wait3A_28 = arith.constant 0 : i32
      %dma_wait3A_29 = tpu.memref_slice %arg4[%arg1, %dma_wait3A_28] : memref<16x80xf32, #tpu.memory_space<hbm>> -> memref<1x80xf32, #tpu.memory_space<hbm>>
      %dma_wait3A_30 = tpu.memref_squeeze %dma_wait3A_29 : memref<1x80xf32, #tpu.memory_space<hbm>> -> memref<80xf32, #tpu.memory_space<hbm>>
      tpu.wait_dma2 semaphore(%run_scoped3A : memref<!tpu.dma_semaphore, #tpu.memory_space<semaphore_mem>>) src(%dma_wait3A_30 : memref<80xf32, #tpu.memory_space<hbm>>) dst(%arg11 : memref<80xf32, #tpu.memory_space<vmem>>)
      tpu.yield
    }) : () -> ()
    "tpu.region"() ({
      %run_scoped3A = tpu.sem_alloc : memref<!tpu.dma_semaphore, #tpu.memory_space<semaphore_mem>>
      tpu.enqueue_dma source(%arg5 : memref<32768xf32, #tpu.memory_space<hbm>>) target(%arg7 : memref<32768xf32, #tpu.memory_space<vmem>>) target_semaphore(%run_scoped3A : memref<!tpu.dma_semaphore, #tpu.memory_space<semaphore_mem>>)
      tpu.wait_dma2 semaphore(%run_scoped3A : memref<!tpu.dma_semaphore, #tpu.memory_space<semaphore_mem>>) src(%arg5 : memref<32768xf32, #tpu.memory_space<hbm>>) dst(%arg7 : memref<32768xf32, #tpu.memory_space<vmem>>)
      tpu.yield
    }) : () -> ()
    %get3A = arith.constant 0 : index
    %get3A_0 = tpu.vector_load %arg11[%get3A] {strides = array<i32>} : memref<80xf32, #tpu.memory_space<vmem>>, vector<16xf32>,
    %get3A_1 = arith.constant 16 : index
    %get3A_2 = tpu.vector_load %arg11[%get3A_1] {strides = array<i32>} : memref<80xf32, #tpu.memory_space<vmem>>, vector<16xf32>,
    %get3A_3 = arith.constant 32 : index
    %get3A_4 = tpu.vector_load %arg11[%get3A_3] {strides = array<i32>} : memref<80xf32, #tpu.memory_space<vmem>>, vector<16xf32>,
    %get3A_5 = arith.constant 48 : index
    %get3A_6 = tpu.vector_load %arg11[%get3A_5] {strides = array<i32>} : memref<80xf32, #tpu.memory_space<vmem>>, vector<16xf32>,
    %get3A_7 = arith.constant 64 : index
    %get3A_8 = tpu.vector_load %arg11[%get3A_7] {strides = array<i32>} : memref<80xf32, #tpu.memory_space<vmem>>, vector<16xf32>,
    %iota3A = tpu.iota {dimensions = array<i32: 0>} : vector<16xi32>
    %broadcast_in_dim3A = arith.constant 0.000000e+00 : f32
    %broadcast_in_dim3A_9 = vector.broadcast %broadcast_in_dim3A : f32 to vector<16xf32>
    %scan3A = arith.constant 0 : i32
    %scan3A_10 = arith.constant 16 : i32
    %scan3A_11 = arith.addi %scan3A, %scan3A_10 : i32
    %scan3A_12 = arith.constant 1 : i32
    %scan3A_13 = scf.for %scan3A_21 = %scan3A to %scan3A_11 step %scan3A_12 iter_args(%scan3A_22 = %broadcast_in_dim3A_9) -> (vector<16xf32>)  : i32 {
      %mul3A = arith.constant 256 : i32
      %mul3A_23 = arith.muli %scan3A_21, %mul3A : i32
      %broadcast_in_dim3A_24 = arith.constant 0.000000e+00 : f32
      %broadcast_in_dim3A_25 = vector.broadcast %broadcast_in_dim3A_24 : f32 to vector<16xf32>
      %add3A = arith.constant 0 : i32
      %add3A_26 = arith.addi %mul3A_23, %add3A : i32
      %get3A_27 = arith.index_cast %add3A_26 : i32 to index
      %get3A_28 = tpu.vector_load %arg8[%get3A_27] {strides = array<i32>} : memref<4096xi32, #tpu.memory_space<vmem>>, vector<16xi32>,
      %and3A = arith.constant 65535 : i32
      %and3A_29 = vector.broadcast %and3A : i32 to vector<16xi32>
      %and3A_30 = arith.andi %get3A_28, %and3A_29 : vector<16xi32>
      %add3A_31 = arith.constant 0 : i32
      %add3A_32 = vector.broadcast %add3A_31 : i32 to vector<16xi32>
      %add3A_33 = arith.addi %and3A_30, %add3A_32 : vector<16xi32>
      %and3A_34 = arith.constant 32767 : i32
      %and3A_35 = vector.broadcast %and3A_34 : i32 to vector<16xi32>
      %and3A_36 = arith.andi %add3A_33, %and3A_35 : vector<16xi32>
      %gather3A = tpu.vector_load_idx %arg7[%and3A_36] : memref<32768xf32, #tpu.memory_space<vmem>>[vector<16xi32>], vector<16xf32>,
      %and3A_37 = arith.constant -65536 : i32
      %and3A_38 = vector.broadcast %and3A_37 : i32 to vector<16xi32>
      %and3A_39 = arith.andi %get3A_28, %and3A_38 : vector<16xi32>
      %bitcast3A = vector.bitcast %and3A_39 : vector<16xi32> to vector<16xf32>
      %mul3A_40 = arith.mulf %bitcast3A, %gather3A : vector<16xf32>
      %add3A_41 = arith.addf %broadcast_in_dim3A_25, %mul3A_40 : vector<16xf32>
      %add3A_42 = arith.constant 16 : i32
      %add3A_43 = arith.addi %mul3A_23, %add3A_42 : i32
      %get3A_44 = arith.index_cast %add3A_43 : i32 to index
      %get3A_45 = tpu.vector_load %arg8[%get3A_44] {strides = array<i32>} : memref<4096xi32, #tpu.memory_space<vmem>>, vector<16xi32>,
      %and3A_46 = arith.constant 65535 : i32
      %and3A_47 = vector.broadcast %and3A_46 : i32 to vector<16xi32>
      %and3A_48 = arith.andi %get3A_45, %and3A_47 : vector<16xi32>
      %add3A_49 = arith.constant 0 : i32
      %add3A_50 = vector.broadcast %add3A_49 : i32 to vector<16xi32>
      %add3A_51 = arith.addi %and3A_48, %add3A_50 : vector<16xi32>
      %and3A_52 = arith.constant 32767 : i32
      %and3A_53 = vector.broadcast %and3A_52 : i32 to vector<16xi32>
      %and3A_54 = arith.andi %add3A_51, %and3A_53 : vector<16xi32>
      %gather3A_55 = tpu.vector_load_idx %arg7[%and3A_54] : memref<32768xf32, #tpu.memory_space<vmem>>[vector<16xi32>], vector<16xf32>,
      %and3A_56 = arith.constant -65536 : i32
      %and3A_57 = vector.broadcast %and3A_56 : i32 to vector<16xi32>
      %and3A_58 = arith.andi %get3A_45, %and3A_57 : vector<16xi32>
      %bitcast3A_59 = vector.bitcast %and3A_58 : vector<16xi32> to vector<16xf32>
      %mul3A_60 = arith.mulf %bitcast3A_59, %gather3A_55 : vector<16xf32>
      %add3A_61 = arith.addf %add3A_41, %mul3A_60 : vector<16xf32>
      %add3A_62 = arith.constant 32 : i32
      %add3A_63 = arith.addi %mul3A_23, %add3A_62 : i32
      %get3A_64 = arith.index_cast %add3A_63 : i32 to index
      %get3A_65 = tpu.vector_load %arg8[%get3A_64] {strides = array<i32>} : memref<4096xi32, #tpu.memory_space<vmem>>, vector<16xi32>,
      %and3A_66 = arith.constant 65535 : i32
      %and3A_67 = vector.broadcast %and3A_66 : i32 to vector<16xi32>
      %and3A_68 = arith.andi %get3A_65, %and3A_67 : vector<16xi32>
      %add3A_69 = arith.constant 0 : i32
      %add3A_70 = vector.broadcast %add3A_69 : i32 to vector<16xi32>
      %add3A_71 = arith.addi %and3A_68, %add3A_70 : vector<16xi32>
      %and3A_72 = arith.constant 32767 : i32
      %and3A_73 = vector.broadcast %and3A_72 : i32 to vector<16xi32>
      %and3A_74 = arith.andi %add3A_71, %and3A_73 : vector<16xi32>
      %gather3A_75 = tpu.vector_load_idx %arg7[%and3A_74] : memref<32768xf32, #tpu.memory_space<vmem>>[vector<16xi32>], vector<16xf32>,
      %and3A_76 = arith.constant -65536 : i32
      %and3A_77 = vector.broadcast %and3A_76 : i32 to vector<16xi32>
      %and3A_78 = arith.andi %get3A_65, %and3A_77 : vector<16xi32>
      %bitcast3A_79 = vector.bitcast %and3A_78 : vector<16xi32> to vector<16xf32>
      %mul3A_80 = arith.mulf %bitcast3A_79, %gather3A_75 : vector<16xf32>
      %add3A_81 = arith.addf %add3A_61, %mul3A_80 : vector<16xf32>
      %add3A_82 = arith.constant 48 : i32
      %add3A_83 = arith.addi %mul3A_23, %add3A_82 : i32
      %get3A_84 = arith.index_cast %add3A_83 : i32 to index
      %get3A_85 = tpu.vector_load %arg8[%get3A_84] {strides = array<i32>} : memref<4096xi32, #tpu.memory_space<vmem>>, vector<16xi32>,
      %and3A_86 = arith.constant 65535 : i32
      %and3A_87 = vector.broadcast %and3A_86 : i32 to vector<16xi32>
      %and3A_88 = arith.andi %get3A_85, %and3A_87 : vector<16xi32>
      %add3A_89 = arith.constant 0 : i32
      %add3A_90 = vector.broadcast %add3A_89 : i32 to vector<16xi32>
      %add3A_91 = arith.addi %and3A_88, %add3A_90 : vector<16xi32>
      %and3A_92 = arith.constant 32767 : i32
      %and3A_93 = vector.broadcast %and3A_92 : i32 to vector<16xi32>
      %and3A_94 = arith.andi %add3A_91, %and3A_93 : vector<16xi32>
      %gather3A_95 = tpu.vector_load_idx %arg7[%and3A_94] : memref<32768xf32, #tpu.memory_space<vmem>>[vector<16xi32>], vector<16xf32>,
      %and3A_96 = arith.constant -65536 : i32
      %and3A_97 = vector.broadcast %and3A_96 : i32 to vector<16xi32>
      %and3A_98 = arith.andi %get3A_85, %and3A_97 : vector<16xi32>
      %bitcast3A_99 = vector.bitcast %and3A_98 : vector<16xi32> to vector<16xf32>
      %mul3A_100 = arith.mulf %bitcast3A_99, %gather3A_95 : vector<16xf32>
      %add3A_101 = arith.addf %add3A_81, %mul3A_100 : vector<16xf32>
      %add3A_102 = arith.constant 64 : i32
      %add3A_103 = arith.addi %mul3A_23, %add3A_102 : i32
      %get3A_104 = arith.index_cast %add3A_103 : i32 to index
      %get3A_105 = tpu.vector_load %arg8[%get3A_104] {strides = array<i32>} : memref<4096xi32, #tpu.memory_space<vmem>>, vector<16xi32>,
      %and3A_106 = arith.constant 65535 : i32
      %and3A_107 = vector.broadcast %and3A_106 : i32 to vector<16xi32>
      %and3A_108 = arith.andi %get3A_105, %and3A_107 : vector<16xi32>
      %add3A_109 = arith.constant 0 : i32
      %add3A_110 = vector.broadcast %add3A_109 : i32 to vector<16xi32>
      %add3A_111 = arith.addi %and3A_108, %add3A_110 : vector<16xi32>
      %and3A_112 = arith.constant 32767 : i32
      %and3A_113 = vector.broadcast %and3A_112 : i32 to vector<16xi32>
      %and3A_114 = arith.andi %add3A_111, %and3A_113 : vector<16xi32>
      %gather3A_115 = tpu.vector_load_idx %arg7[%and3A_114] : memref<32768xf32, #tpu.memory_space<vmem>>[vector<16xi32>], vector<16xf32>,
      %and3A_116 = arith.constant -65536 : i32
      %and3A_117 = vector.broadcast %and3A_116 : i32 to vector<16xi32>
      %and3A_118 = arith.andi %get3A_105, %and3A_117 : vector<16xi32>
      %bitcast3A_119 = vector.bitcast %and3A_118 : vector<16xi32> to vector<16xf32>
      %mul3A_120 = arith.mulf %bitcast3A_119, %gather3A_115 : vector<16xf32>
      %add3A_121 = arith.addf %add3A_101, %mul3A_120 : vector<16xf32>
      %add3A_122 = arith.constant 80 : i32
      %add3A_123 = arith.addi %mul3A_23, %add3A_122 : i32
      %get3A_124 = arith.index_cast %add3A_123 : i32 to index
      %get3A_125 = tpu.vector_load %arg8[%get3A_124] {strides = array<i32>} : memref<4096xi32, #tpu.memory_space<vmem>>, vector<16xi32>,
      %and3A_126 = arith.constant 65535 : i32
      %and3A_127 = vector.broadcast %and3A_126 : i32 to vector<16xi32>
      %and3A_128 = arith.andi %get3A_125, %and3A_127 : vector<16xi32>
      %add3A_129 = arith.constant 0 : i32
      %add3A_130 = vector.broadcast %add3A_129 : i32 to vector<16xi32>
      %add3A_131 = arith.addi %and3A_128, %add3A_130 : vector<16xi32>
      %and3A_132 = arith.constant 32767 : i32
      %and3A_133 = vector.broadcast %and3A_132 : i32 to vector<16xi32>
      %and3A_134 = arith.andi %add3A_131, %and3A_133 : vector<16xi32>
      %gather3A_135 = tpu.vector_load_idx %arg7[%and3A_134] : memref<32768xf32, #tpu.memory_space<vmem>>[vector<16xi32>], vector<16xf32>,
      %and3A_136 = arith.constant -65536 : i32
      %and3A_137 = vector.broadcast %and3A_136 : i32 to vector<16xi32>
      %and3A_138 = arith.andi %get3A_125, %and3A_137 : vector<16xi32>
      %bitcast3A_139 = vector.bitcast %and3A_138 : vector<16xi32> to vector<16xf32>
      %mul3A_140 = arith.mulf %bitcast3A_139, %gather3A_135 : vector<16xf32>
      %add3A_141 = arith.addf %add3A_121, %mul3A_140 : vector<16xf32>
      %add3A_142 = arith.constant 96 : i32
      %add3A_143 = arith.addi %mul3A_23, %add3A_142 : i32
      %get3A_144 = arith.index_cast %add3A_143 : i32 to index
      %get3A_145 = tpu.vector_load %arg8[%get3A_144] {strides = array<i32>} : memref<4096xi32, #tpu.memory_space<vmem>>, vector<16xi32>,
      %and3A_146 = arith.constant 65535 : i32
      %and3A_147 = vector.broadcast %and3A_146 : i32 to vector<16xi32>
      %and3A_148 = arith.andi %get3A_145, %and3A_147 : vector<16xi32>
      %add3A_149 = arith.constant 0 : i32
      %add3A_150 = vector.broadcast %add3A_149 : i32 to vector<16xi32>
      %add3A_151 = arith.addi %and3A_148, %add3A_150 : vector<16xi32>
      %and3A_152 = arith.constant 32767 : i32
      %and3A_153 = vector.broadcast %and3A_152 : i32 to vector<16xi32>
      %and3A_154 = arith.andi %add3A_151, %and3A_153 : vector<16xi32>
      %gather3A_155 = tpu.vector_load_idx %arg7[%and3A_154] : memref<32768xf32, #tpu.memory_space<vmem>>[vector<16xi32>], vector<16xf32>,
      %and3A_156 = arith.constant -65536 : i32
      %and3A_157 = vector.broadcast %and3A_156 : i32 to vector<16xi32>
      %and3A_158 = arith.andi %get3A_145, %and3A_157 : vector<16xi32>
      %bitcast3A_159 = vector.bitcast %and3A_158 : vector<16xi32> to vector<16xf32>
      %mul3A_160 = arith.mulf %bitcast3A_159, %gather3A_155 : vector<16xf32>
      %add3A_161 = arith.addf %add3A_141, %mul3A_160 : vector<16xf32>
      %add3A_162 = arith.constant 112 : i32
      %add3A_163 = arith.addi %mul3A_23, %add3A_162 : i32
      %get3A_164 = arith.index_cast %add3A_163 : i32 to index
      %get3A_165 = tpu.vector_load %arg8[%get3A_164] {strides = array<i32>} : memref<4096xi32, #tpu.memory_space<vmem>>, vector<16xi32>,
      %and3A_166 = arith.constant 65535 : i32
      %and3A_167 = vector.broadcast %and3A_166 : i32 to vector<16xi32>
      %and3A_168 = arith.andi %get3A_165, %and3A_167 : vector<16xi32>
      %add3A_169 = arith.constant 0 : i32
      %add3A_170 = vector.broadcast %add3A_169 : i32 to vector<16xi32>
      %add3A_171 = arith.addi %and3A_168, %add3A_170 : vector<16xi32>
      %and3A_172 = arith.constant 32767 : i32
      %and3A_173 = vector.broadcast %and3A_172 : i32 to vector<16xi32>
      %and3A_174 = arith.andi %add3A_171, %and3A_173 : vector<16xi32>
      %gather3A_175 = tpu.vector_load_idx %arg7[%and3A_174] : memref<32768xf32, #tpu.memory_space<vmem>>[vector<16xi32>], vector<16xf32>,
      %and3A_176 = arith.constant -65536 : i32
      %and3A_177 = vector.broadcast %and3A_176 : i32 to vector<16xi32>
      %and3A_178 = arith.andi %get3A_165, %and3A_177 : vector<16xi32>
      %bitcast3A_179 = vector.bitcast %and3A_178 : vector<16xi32> to vector<16xf32>
      %mul3A_180 = arith.mulf %bitcast3A_179, %gather3A_175 : vector<16xf32>
      %add3A_181 = arith.addf %add3A_161, %mul3A_180 : vector<16xf32>
      %add3A_182 = arith.constant 128 : i32
      %add3A_183 = arith.addi %mul3A_23, %add3A_182 : i32
      %get3A_184 = arith.index_cast %add3A_183 : i32 to index
      %get3A_185 = tpu.vector_load %arg8[%get3A_184] {strides = array<i32>} : memref<4096xi32, #tpu.memory_space<vmem>>, vector<16xi32>,
      %and3A_186 = arith.constant 65535 : i32
      %and3A_187 = vector.broadcast %and3A_186 : i32 to vector<16xi32>
      %and3A_188 = arith.andi %get3A_185, %and3A_187 : vector<16xi32>
      %add3A_189 = arith.constant 0 : i32
      %add3A_190 = vector.broadcast %add3A_189 : i32 to vector<16xi32>
      %add3A_191 = arith.addi %and3A_188, %add3A_190 : vector<16xi32>
      %and3A_192 = arith.constant 32767 : i32
      %and3A_193 = vector.broadcast %and3A_192 : i32 to vector<16xi32>
      %and3A_194 = arith.andi %add3A_191, %and3A_193 : vector<16xi32>
      %gather3A_195 = tpu.vector_load_idx %arg7[%and3A_194] : memref<32768xf32, #tpu.memory_space<vmem>>[vector<16xi32>], vector<16xf32>,
      %and3A_196 = arith.constant -65536 : i32
      %and3A_197 = vector.broadcast %and3A_196 : i32 to vector<16xi32>
      %and3A_198 = arith.andi %get3A_185, %and3A_197 : vector<16xi32>
      %bitcast3A_199 = vector.bitcast %and3A_198 : vector<16xi32> to vector<16xf32>
      %mul3A_200 = arith.mulf %bitcast3A_199, %gather3A_195 : vector<16xf32>
      %add3A_201 = arith.addf %add3A_181, %mul3A_200 : vector<16xf32>
      %add3A_202 = arith.constant 144 : i32
      %add3A_203 = arith.addi %mul3A_23, %add3A_202 : i32
      %get3A_204 = arith.index_cast %add3A_203 : i32 to index
      %get3A_205 = tpu.vector_load %arg8[%get3A_204] {strides = array<i32>} : memref<4096xi32, #tpu.memory_space<vmem>>, vector<16xi32>,
      %and3A_206 = arith.constant 65535 : i32
      %and3A_207 = vector.broadcast %and3A_206 : i32 to vector<16xi32>
      %and3A_208 = arith.andi %get3A_205, %and3A_207 : vector<16xi32>
      %add3A_209 = arith.constant 0 : i32
      %add3A_210 = vector.broadcast %add3A_209 : i32 to vector<16xi32>
      %add3A_211 = arith.addi %and3A_208, %add3A_210 : vector<16xi32>
      %and3A_212 = arith.constant 32767 : i32
      %and3A_213 = vector.broadcast %and3A_212 : i32 to vector<16xi32>
      %and3A_214 = arith.andi %add3A_211, %and3A_213 : vector<16xi32>
      %gather3A_215 = tpu.vector_load_idx %arg7[%and3A_214] : memref<32768xf32, #tpu.memory_space<vmem>>[vector<16xi32>], vector<16xf32>,
      %and3A_216 = arith.constant -65536 : i32
      %and3A_217 = vector.broadcast %and3A_216 : i32 to vector<16xi32>
      %and3A_218 = arith.andi %get3A_205, %and3A_217 : vector<16xi32>
      %bitcast3A_219 = vector.bitcast %and3A_218 : vector<16xi32> to vector<16xf32>
      %mul3A_220 = arith.mulf %bitcast3A_219, %gather3A_215 : vector<16xf32>
      %add3A_221 = arith.addf %add3A_201, %mul3A_220 : vector<16xf32>
      %add3A_222 = arith.constant 160 : i32
      %add3A_223 = arith.addi %mul3A_23, %add3A_222 : i32
      %get3A_224 = arith.index_cast %add3A_223 : i32 to index
      %get3A_225 = tpu.vector_load %arg8[%get3A_224] {strides = array<i32>} : memref<4096xi32, #tpu.memory_space<vmem>>, vector<16xi32>,
      %and3A_226 = arith.constant 65535 : i32
      %and3A_227 = vector.broadcast %and3A_226 : i32 to vector<16xi32>
      %and3A_228 = arith.andi %get3A_225, %and3A_227 : vector<16xi32>
      %add3A_229 = arith.constant 0 : i32
      %add3A_230 = vector.broadcast %add3A_229 : i32 to vector<16xi32>
      %add3A_231 = arith.addi %and3A_228, %add3A_230 : vector<16xi32>
      %and3A_232 = arith.constant 32767 : i32
      %and3A_233 = vector.broadcast %and3A_232 : i32 to vector<16xi32>
      %and3A_234 = arith.andi %add3A_231, %and3A_233 : vector<16xi32>
      %gather3A_235 = tpu.vector_load_idx %arg7[%and3A_234] : memref<32768xf32, #tpu.memory_space<vmem>>[vector<16xi32>], vector<16xf32>,
      %and3A_236 = arith.constant -65536 : i32
      %and3A_237 = vector.broadcast %and3A_236 : i32 to vector<16xi32>
      %and3A_238 = arith.andi %get3A_225, %and3A_237 : vector<16xi32>
      %bitcast3A_239 = vector.bitcast %and3A_238 : vector<16xi32> to vector<16xf32>
      %mul3A_240 = arith.mulf %bitcast3A_239, %gather3A_235 : vector<16xf32>
      %add3A_241 = arith.addf %add3A_221, %mul3A_240 : vector<16xf32>
      %add3A_242 = arith.constant 176 : i32
      %add3A_243 = arith.addi %mul3A_23, %add3A_242 : i32
      %get3A_244 = arith.index_cast %add3A_243 : i32 to index
      %get3A_245 = tpu.vector_load %arg8[%get3A_244] {strides = array<i32>} : memref<4096xi32, #tpu.memory_space<vmem>>, vector<16xi32>,
      %and3A_246 = arith.constant 65535 : i32
      %and3A_247 = vector.broadcast %and3A_246 : i32 to vector<16xi32>
      %and3A_248 = arith.andi %get3A_245, %and3A_247 : vector<16xi32>
      %add3A_249 = arith.constant 0 : i32
      %add3A_250 = vector.broadcast %add3A_249 : i32 to vector<16xi32>
      %add3A_251 = arith.addi %and3A_248, %add3A_250 : vector<16xi32>
      %and3A_252 = arith.constant 32767 : i32
      %and3A_253 = vector.broadcast %and3A_252 : i32 to vector<16xi32>
      %and3A_254 = arith.andi %add3A_251, %and3A_253 : vector<16xi32>
      %gather3A_255 = tpu.vector_load_idx %arg7[%and3A_254] : memref<32768xf32, #tpu.memory_space<vmem>>[vector<16xi32>], vector<16xf32>,
      %and3A_256 = arith.constant -65536 : i32
      %and3A_257 = vector.broadcast %and3A_256 : i32 to vector<16xi32>
      %and3A_258 = arith.andi %get3A_245, %and3A_257 : vector<16xi32>
      %bitcast3A_259 = vector.bitcast %and3A_258 : vector<16xi32> to vector<16xf32>
      %mul3A_260 = arith.mulf %bitcast3A_259, %gather3A_255 : vector<16xf32>
      %add3A_261 = arith.addf %add3A_241, %mul3A_260 : vector<16xf32>
      %add3A_262 = arith.constant 192 : i32
      %add3A_263 = arith.addi %mul3A_23, %add3A_262 : i32
      %get3A_264 = arith.index_cast %add3A_263 : i32 to index
      %get3A_265 = tpu.vector_load %arg8[%get3A_264] {strides = array<i32>} : memref<4096xi32, #tpu.memory_space<vmem>>, vector<16xi32>,
      %and3A_266 = arith.constant 65535 : i32
      %and3A_267 = vector.broadcast %and3A_266 : i32 to vector<16xi32>
      %and3A_268 = arith.andi %get3A_265, %and3A_267 : vector<16xi32>
      %add3A_269 = arith.constant 0 : i32
      %add3A_270 = vector.broadcast %add3A_269 : i32 to vector<16xi32>
      %add3A_271 = arith.addi %and3A_268, %add3A_270 : vector<16xi32>
      %and3A_272 = arith.constant 32767 : i32
      %and3A_273 = vector.broadcast %and3A_272 : i32 to vector<16xi32>
      %and3A_274 = arith.andi %add3A_271, %and3A_273 : vector<16xi32>
      %gather3A_275 = tpu.vector_load_idx %arg7[%and3A_274] : memref<32768xf32, #tpu.memory_space<vmem>>[vector<16xi32>], vector<16xf32>,
      %and3A_276 = arith.constant -65536 : i32
      %and3A_277 = vector.broadcast %and3A_276 : i32 to vector<16xi32>
      %and3A_278 = arith.andi %get3A_265, %and3A_277 : vector<16xi32>
      %bitcast3A_279 = vector.bitcast %and3A_278 : vector<16xi32> to vector<16xf32>
      %mul3A_280 = arith.mulf %bitcast3A_279, %gather3A_275 : vector<16xf32>
      %add3A_281 = arith.addf %add3A_261, %mul3A_280 : vector<16xf32>
      %add3A_282 = arith.constant 208 : i32
      %add3A_283 = arith.addi %mul3A_23, %add3A_282 : i32
      %get3A_284 = arith.index_cast %add3A_283 : i32 to index
      %get3A_285 = tpu.vector_load %arg8[%get3A_284] {strides = array<i32>} : memref<4096xi32, #tpu.memory_space<vmem>>, vector<16xi32>,
      %and3A_286 = arith.constant 65535 : i32
      %and3A_287 = vector.broadcast %and3A_286 : i32 to vector<16xi32>
      %and3A_288 = arith.andi %get3A_285, %and3A_287 : vector<16xi32>
      %add3A_289 = arith.constant 0 : i32
      %add3A_290 = vector.broadcast %add3A_289 : i32 to vector<16xi32>
      %add3A_291 = arith.addi %and3A_288, %add3A_290 : vector<16xi32>
      %and3A_292 = arith.constant 32767 : i32
      %and3A_293 = vector.broadcast %and3A_292 : i32 to vector<16xi32>
      %and3A_294 = arith.andi %add3A_291, %and3A_293 : vector<16xi32>
      %gather3A_295 = tpu.vector_load_idx %arg7[%and3A_294] : memref<32768xf32, #tpu.memory_space<vmem>>[vector<16xi32>], vector<16xf32>,
      %and3A_296 = arith.constant -65536 : i32
      %and3A_297 = vector.broadcast %and3A_296 : i32 to vector<16xi32>
      %and3A_298 = arith.andi %get3A_285, %and3A_297 : vector<16xi32>
      %bitcast3A_299 = vector.bitcast %and3A_298 : vector<16xi32> to vector<16xf32>
      %mul3A_300 = arith.mulf %bitcast3A_299, %gather3A_295 : vector<16xf32>
      %add3A_301 = arith.addf %add3A_281, %mul3A_300 : vector<16xf32>
      %add3A_302 = arith.constant 224 : i32
      %add3A_303 = arith.addi %mul3A_23, %add3A_302 : i32
      %get3A_304 = arith.index_cast %add3A_303 : i32 to index
      %get3A_305 = tpu.vector_load %arg8[%get3A_304] {strides = array<i32>} : memref<4096xi32, #tpu.memory_space<vmem>>, vector<16xi32>,
      %and3A_306 = arith.constant 65535 : i32
      %and3A_307 = vector.broadcast %and3A_306 : i32 to vector<16xi32>
      %and3A_308 = arith.andi %get3A_305, %and3A_307 : vector<16xi32>
      %add3A_309 = arith.constant 0 : i32
      %add3A_310 = vector.broadcast %add3A_309 : i32 to vector<16xi32>
      %add3A_311 = arith.addi %and3A_308, %add3A_310 : vector<16xi32>
      %and3A_312 = arith.constant 32767 : i32
      %and3A_313 = vector.broadcast %and3A_312 : i32 to vector<16xi32>
      %and3A_314 = arith.andi %add3A_311, %and3A_313 : vector<16xi32>
      %gather3A_315 = tpu.vector_load_idx %arg7[%and3A_314] : memref<32768xf32, #tpu.memory_space<vmem>>[vector<16xi32>], vector<16xf32>,
      %and3A_316 = arith.constant -65536 : i32
      %and3A_317 = vector.broadcast %and3A_316 : i32 to vector<16xi32>
      %and3A_318 = arith.andi %get3A_305, %and3A_317 : vector<16xi32>
      %bitcast3A_319 = vector.bitcast %and3A_318 : vector<16xi32> to vector<16xf32>
      %mul3A_320 = arith.mulf %bitcast3A_319, %gather3A_315 : vector<16xf32>
      %add3A_321 = arith.addf %add3A_301, %mul3A_320 : vector<16xf32>
      %add3A_322 = arith.constant 240 : i32
      %add3A_323 = arith.addi %mul3A_23, %add3A_322 : i32
      %get3A_324 = arith.index_cast %add3A_323 : i32 to index
      %get3A_325 = tpu.vector_load %arg8[%get3A_324] {strides = array<i32>} : memref<4096xi32, #tpu.memory_space<vmem>>, vector<16xi32>,
      %and3A_326 = arith.constant 65535 : i32
      %and3A_327 = vector.broadcast %and3A_326 : i32 to vector<16xi32>
      %and3A_328 = arith.andi %get3A_325, %and3A_327 : vector<16xi32>
      %add3A_329 = arith.constant 0 : i32
      %add3A_330 = vector.broadcast %add3A_329 : i32 to vector<16xi32>
      %add3A_331 = arith.addi %and3A_328, %add3A_330 : vector<16xi32>
      %and3A_332 = arith.constant 32767 : i32
      %and3A_333 = vector.broadcast %and3A_332 : i32 to vector<16xi32>
      %and3A_334 = arith.andi %add3A_331, %and3A_333 : vector<16xi32>
      %gather3A_335 = tpu.vector_load_idx %arg7[%and3A_334] : memref<32768xf32, #tpu.memory_space<vmem>>[vector<16xi32>], vector<16xf32>,
      %and3A_336 = arith.constant -65536 : i32
      %and3A_337 = vector.broadcast %and3A_336 : i32 to vector<16xi32>
      %and3A_338 = arith.andi %get3A_325, %and3A_337 : vector<16xi32>
      %bitcast3A_339 = vector.bitcast %and3A_338 : vector<16xi32> to vector<16xf32>
      %mul3A_340 = arith.mulf %bitcast3A_339, %gather3A_335 : vector<16xf32>
      %add3A_341 = arith.addf %add3A_321, %mul3A_340 : vector<16xf32>
      %eq3A = vector.broadcast %scan3A_21 : i32 to vector<16xi32>
      %eq3A_342 = arith.cmpi eq, %iota3A, %eq3A : vector<16xi32>
      %reduce_sum3A = arith.constant true
      %reduce_sum3A_343 = vector.broadcast %reduce_sum3A : i1 to vector<16xi1>
      %reduce_sum3A_344 = tpu.scan <sum>, %add3A_341 masked %reduce_sum3A_343 : vector<16xf32>, vector<16xi1> -> vector<16xf32>
      %reduce_sum3A_345 = vector.extract %reduce_sum3A_344[15] : f32 from vector<16xf32>
      %broadcast_in_dim3A_346 = vector.broadcast %reduce_sum3A_345 : f32 to vector<16xf32>
      %select_n3A = arith.select %eq3A_342, %broadcast_in_dim3A_346, %scan3A_22 : vector<16xi1>, vector<16xf32>
      scf.yield %select_n3A : vector<16xf32>
    }
    %scan3A_14 = arith.constant 16 : i32
    %scan3A_15 = arith.constant 0 : i32
    %scan3A_16 = arith.constant 1000 : i32
    %scan3A_17 = arith.addi %scan3A_15, %scan3A_16 : i32
    %scan3A_18 = arith.constant 1 : i32
    %scan3A_19:3 = scf.for %scan3A_21 = %scan3A_15 to %scan3A_17 step %scan3A_18 iter_args(%scan3A_22 = %get3A_4, %scan3A_23 = %get3A_6, %scan3A_24 = %scan3A_13) -> (vector<16xf32>, vector<16xf32>, vector<16xf32>)  : i32 {
      %mul3A = arith.constant 32 : i32
      %mul3A_25 = arith.muli %scan3A_21, %mul3A : i32
      %get3A_26 = arith.index_cast %mul3A_25 : i32 to index
      %get3A_27 = tpu.vector_load %arg9[%get3A_26] {strides = array<i32>} : memref<32000xf32, #tpu.memory_space<vmem>>, vector<16xf32>,
      %mul3A_28 = arith.constant 32 : i32
      %mul3A_29 = arith.muli %scan3A_21, %mul3A_28 : i32
      %add3A = arith.constant 16 : i32
      %add3A_30 = arith.addi %mul3A_29, %add3A : i32
      %get3A_31 = arith.index_cast %add3A_30 : i32 to index
      %get3A_32 = tpu.vector_load %arg9[%get3A_31] {strides = array<i32>} : memref<32000xf32, #tpu.memory_space<vmem>>, vector<16xf32>,
      %mul3A_33 = arith.mulf %get3A_8, %scan3A_24 : vector<16xf32>
      %mul3A_34 = arith.constant 2.000000e+00 : f32
      %mul3A_35 = vector.broadcast %mul3A_34 : f32 to vector<16xf32>
      %mul3A_36 = arith.mulf %mul3A_35, %scan3A_22 : vector<16xf32>
      %mul3A_37 = arith.mulf %mul3A_36, %scan3A_23 : vector<16xf32>
      %add3A_38 = arith.constant 0.0222816914 : f32
      %add3A_39 = vector.broadcast %add3A_38 : f32 to vector<16xf32>
      %add3A_40 = arith.addf %add3A_39, %mul3A_37 : vector<16xf32>
      %div3A = arith.constant 1.000000e+01 : f32
      %div3A_41 = vector.broadcast %div3A : f32 to vector<16xf32>
      %div3A_42 = arith.divf %add3A_40, %div3A_41 : vector<16xf32>
      %mul3A_43 = arith.constant 31.415926 : f32
      %mul3A_44 = vector.broadcast %mul3A_43 : f32 to vector<16xf32>
      %mul3A_45 = arith.mulf %mul3A_44, %scan3A_22 : vector<16xf32>
      %mul3A_46 = arith.mulf %scan3A_23, %scan3A_23 : vector<16xf32>
      %add3A_47 = arith.addf %mul3A_46, %get3A_0 : vector<16xf32>
      %mul3A_48 = arith.mulf %get3A_2, %scan3A_22 : vector<16xf32>
      %add3A_49 = arith.addf %add3A_47, %mul3A_48 : vector<16xf32>
      %add3A_50 = arith.addf %add3A_49, %mul3A_33 : vector<16xf32>
      %mul3A_51 = arith.mulf %mul3A_45, %mul3A_45 : vector<16xf32>
      %sub3A = arith.subf %add3A_50, %mul3A_51 : vector<16xf32>
      %div3A_52 = arith.constant 1.000000e+01 : f32
      %div3A_53 = vector.broadcast %div3A_52 : f32 to vector<16xf32>
      %div3A_54 = arith.divf %sub3A, %div3A_53 : vector<16xf32>
      %mul3A_55 = arith.constant 1.000000e-01 : f32
      %mul3A_56 = vector.broadcast %mul3A_55 : f32 to vector<16xf32>
      %mul3A_57 = arith.mulf %mul3A_56, %div3A_42 : vector<16xf32>
      %add3A_58 = arith.addf %scan3A_22, %mul3A_57 : vector<16xf32>
      %add3A_59 = arith.addf %add3A_58, %get3A_27 : vector<16xf32>
      %jit3A = arith.constant 0.000000e+00 : f32
      %jit3A_60 = arith.constant 1.000000e+01 : f32
      %max3A = vector.broadcast %jit3A : f32 to vector<16xf32>
      %max3A_61 = arith.maximumf %max3A, %add3A_59 : vector<16xf32>
      %min3A = vector.broadcast %jit3A_60 : f32 to vector<16xf32>
      %min3A_62 = arith.minimumf %min3A, %max3A_61 : vector<16xf32>
      %mul3A_63 = arith.constant 1.000000e-01 : f32
      %mul3A_64 = vector.broadcast %mul3A_63 : f32 to vector<16xf32>
      %mul3A_65 = arith.mulf %mul3A_64, %div3A_54 : vector<16xf32>
      %add3A_66 = arith.addf %scan3A_23, %mul3A_65 : vector<16xf32>
      %add3A_67 = arith.addf %add3A_66, %get3A_32 : vector<16xf32>
      %jit3A_68 = arith.constant -6.000000e+01 : f32
      %jit3A_69 = arith.constant 6.000000e+01 : f32
      %max3A_70 = vector.broadcast %jit3A_68 : f32 to vector<16xf32>
      %max3A_71 = arith.maximumf %max3A_70, %add3A_67 : vector<16xf32>
      %min3A_72 = vector.broadcast %jit3A_69 : f32 to vector<16xf32>
      %min3A_73 = arith.minimumf %min3A_72, %max3A_71 : vector<16xf32>
      %mul3A_74 = arith.constant 2.000000e+00 : f32
      %mul3A_75 = vector.broadcast %mul3A_74 : f32 to vector<16xf32>
      %mul3A_76 = arith.mulf %mul3A_75, %min3A_62 : vector<16xf32>
      %mul3A_77 = arith.mulf %mul3A_76, %min3A_73 : vector<16xf32>
      %add3A_78 = arith.constant 0.0222816914 : f32
      %add3A_79 = vector.broadcast %add3A_78 : f32 to vector<16xf32>
      %add3A_80 = arith.addf %add3A_79, %mul3A_77 : vector<16xf32>
      %div3A_81 = arith.constant 1.000000e+01 : f32
      %div3A_82 = vector.broadcast %div3A_81 : f32 to vector<16xf32>
      %div3A_83 = arith.divf %add3A_80, %div3A_82 : vector<16xf32>
      %add3A_84 = arith.addf %div3A_42, %div3A_83 : vector<16xf32>
      %mul3A_85 = arith.constant 5.000000e-02 : f32
      %mul3A_86 = vector.broadcast %mul3A_85 : f32 to vector<16xf32>
      %mul3A_87 = arith.mulf %mul3A_86, %add3A_84 : vector<16xf32>
      %add3A_88 = arith.addf %scan3A_22, %mul3A_87 : vector<16xf32>
      %add3A_89 = arith.addf %add3A_88, %get3A_27 : vector<16xf32>
      %jit3A_90 = arith.constant 0.000000e+00 : f32
      %jit3A_91 = arith.constant 1.000000e+01 : f32
      %max3A_92 = vector.broadcast %jit3A_90 : f32 to vector<16xf32>
      %max3A_93 = arith.maximumf %max3A_92, %add3A_89 : vector<16xf32>
      %min3A_94 = vector.broadcast %jit3A_91 : f32 to vector<16xf32>
      %min3A_95 = arith.minimumf %min3A_94, %max3A_93 : vector<16xf32>
      %swap3A = arith.constant 0 : index
      %swap3A_96 = tpu.vector_load %arg12[%swap3A] {strides = array<i32>} : memref<16xf32, #tpu.memory_space<vmem>>, vector<16xf32>,
      tpu.vector_store %arg12[%swap3A], %min3A_95 {strides = array<i32>} : memref<16xf32, #tpu.memory_space<vmem>>, vector<16xf32>,
      %add3A_97 = arith.constant 1 : i32
      %add3A_98 = arith.addi %scan3A_21, %add3A_97 : i32
      %and3A = arith.constant 1 : i32
      %and3A_99 = arith.andi %add3A_98, %and3A : i32
      %mul3A_100 = arith.constant 16 : i32
      %mul3A_101 = arith.muli %arg1, %mul3A_100 : i32
      %dma_start3A = tpu.memref_slice %arg13[%and3A_99, %mul3A_101] : memref<2x256xf32, #tpu.memory_space<vmem_shared>> -> memref<1x16xf32, #tpu.memory_space<vmem_shared>>
      %dma_start3A_102 = tpu.memref_squeeze %dma_start3A : memref<1x16xf32, #tpu.memory_space<vmem_shared>> -> memref<16xf32, #tpu.memory_space<vmem_shared>>
      %dma_start3A_103 = tpu.memref_slice %arg13[%and3A_99, %mul3A_101] : memref<2x256xf32, #tpu.memory_space<vmem_shared>> -> memref<1x16xf32, #tpu.memory_space<vmem_shared>>
      %dma_start3A_104 = tpu.memref_squeeze %dma_start3A_103 : memref<1x16xf32, #tpu.memory_space<vmem_shared>> -> memref<16xf32, #tpu.memory_space<vmem_shared>>
      tpu.enqueue_dma source(%arg12 : memref<16xf32, #tpu.memory_space<vmem>>) target(%dma_start3A_104 : memref<16xf32, #tpu.memory_space<vmem_shared>>) target_semaphore(%arg14 : memref<!tpu.dma_semaphore, #tpu.memory_space<semaphore_mem>>)
      %add3A_105 = arith.constant 1 : i32
      %add3A_106 = arith.addi %scan3A_21, %add3A_105 : i32
      %mul3A_107 = arith.constant 256 : i32
      %mul3A_108 = arith.muli %add3A_106, %mul3A_107 : i32
      %broadcast_in_dim3A_109 = arith.constant 0.000000e+00 : f32
      %broadcast_in_dim3A_110 = vector.broadcast %broadcast_in_dim3A_109 : f32 to vector<16xf32>
      %scan3A_111 = arith.constant 0 : i32
      %scan3A_112 = arith.constant 16 : i32
      %scan3A_113 = arith.addi %scan3A_111, %scan3A_112 : i32
      %scan3A_114 = arith.constant 1 : i32
      %scan3A_115 = scf.for %scan3A_162 = %scan3A_111 to %scan3A_113 step %scan3A_114 iter_args(%scan3A_163 = %broadcast_in_dim3A_110) -> (vector<16xf32>)  : i32 {
        %mul3A_164 = arith.constant 256 : i32
        %mul3A_165 = arith.muli %scan3A_162, %mul3A_164 : i32
        %broadcast_in_dim3A_166 = arith.constant 0.000000e+00 : f32
        %broadcast_in_dim3A_167 = vector.broadcast %broadcast_in_dim3A_166 : f32 to vector<16xf32>
        %add3A_168 = arith.constant 0 : i32
        %add3A_169 = arith.addi %mul3A_165, %add3A_168 : i32
        %get3A_170 = arith.index_cast %add3A_169 : i32 to index
        %get3A_171 = tpu.vector_load %arg8[%get3A_170] {strides = array<i32>} : memref<4096xi32, #tpu.memory_space<vmem>>, vector<16xi32>,
        %and3A_172 = arith.constant 65535 : i32
        %and3A_173 = vector.broadcast %and3A_172 : i32 to vector<16xi32>
        %and3A_174 = arith.andi %get3A_171, %and3A_173 : vector<16xi32>
        %add3A_175 = vector.broadcast %mul3A_108 : i32 to vector<16xi32>
        %add3A_176 = arith.addi %and3A_174, %add3A_175 : vector<16xi32>
        %and3A_177 = arith.constant 32767 : i32
        %and3A_178 = vector.broadcast %and3A_177 : i32 to vector<16xi32>
        %and3A_179 = arith.andi %add3A_176, %and3A_178 : vector<16xi32>
        %gather3A = tpu.vector_load_idx %arg7[%and3A_179] : memref<32768xf32, #tpu.memory_space<vmem>>[vector<16xi32>], vector<16xf32>,
        %and3A_180 = arith.constant -65536 : i32
        %and3A_181 = vector.broadcast %and3A_180 : i32 to vector<16xi32>
        %and3A_182 = arith.andi %get3A_171, %and3A_181 : vector<16xi32>
        %bitcast3A = vector.bitcast %and3A_182 : vector<16xi32> to vector<16xf32>
        %mul3A_183 = arith.mulf %bitcast3A, %gather3A : vector<16xf32>
        %add3A_184 = arith.addf %broadcast_in_dim3A_167, %mul3A_183 : vector<16xf32>
        %add3A_185 = arith.constant 16 : i32
        %add3A_186 = arith.addi %mul3A_165, %add3A_185 : i32
        %get3A_187 = arith.index_cast %add3A_186 : i32 to index
        %get3A_188 = tpu.vector_load %arg8[%get3A_187] {strides = array<i32>} : memref<4096xi32, #tpu.memory_space<vmem>>, vector<16xi32>,
        %and3A_189 = arith.constant 65535 : i32
        %and3A_190 = vector.broadcast %and3A_189 : i32 to vector<16xi32>
        %and3A_191 = arith.andi %get3A_188, %and3A_190 : vector<16xi32>
        %add3A_192 = vector.broadcast %mul3A_108 : i32 to vector<16xi32>
        %add3A_193 = arith.addi %and3A_191, %add3A_192 : vector<16xi32>
        %and3A_194 = arith.constant 32767 : i32
        %and3A_195 = vector.broadcast %and3A_194 : i32 to vector<16xi32>
        %and3A_196 = arith.andi %add3A_193, %and3A_195 : vector<16xi32>
        %gather3A_197 = tpu.vector_load_idx %arg7[%and3A_196] : memref<32768xf32, #tpu.memory_space<vmem>>[vector<16xi32>], vector<16xf32>,
        %and3A_198 = arith.constant -65536 : i32
        %and3A_199 = vector.broadcast %and3A_198 : i32 to vector<16xi32>
        %and3A_200 = arith.andi %get3A_188, %and3A_199 : vector<16xi32>
        %bitcast3A_201 = vector.bitcast %and3A_200 : vector<16xi32> to vector<16xf32>
        %mul3A_202 = arith.mulf %bitcast3A_201, %gather3A_197 : vector<16xf32>
        %add3A_203 = arith.addf %add3A_184, %mul3A_202 : vector<16xf32>
        %add3A_204 = arith.constant 32 : i32
        %add3A_205 = arith.addi %mul3A_165, %add3A_204 : i32
        %get3A_206 = arith.index_cast %add3A_205 : i32 to index
        %get3A_207 = tpu.vector_load %arg8[%get3A_206] {strides = array<i32>} : memref<4096xi32, #tpu.memory_space<vmem>>, vector<16xi32>,
        %and3A_208 = arith.constant 65535 : i32
        %and3A_209 = vector.broadcast %and3A_208 : i32 to vector<16xi32>
        %and3A_210 = arith.andi %get3A_207, %and3A_209 : vector<16xi32>
        %add3A_211 = vector.broadcast %mul3A_108 : i32 to vector<16xi32>
        %add3A_212 = arith.addi %and3A_210, %add3A_211 : vector<16xi32>
        %and3A_213 = arith.constant 32767 : i32
        %and3A_214 = vector.broadcast %and3A_213 : i32 to vector<16xi32>
        %and3A_215 = arith.andi %add3A_212, %and3A_214 : vector<16xi32>
        %gather3A_216 = tpu.vector_load_idx %arg7[%and3A_215] : memref<32768xf32, #tpu.memory_space<vmem>>[vector<16xi32>], vector<16xf32>,
        %and3A_217 = arith.constant -65536 : i32
        %and3A_218 = vector.broadcast %and3A_217 : i32 to vector<16xi32>
        %and3A_219 = arith.andi %get3A_207, %and3A_218 : vector<16xi32>
        %bitcast3A_220 = vector.bitcast %and3A_219 : vector<16xi32> to vector<16xf32>
        %mul3A_221 = arith.mulf %bitcast3A_220, %gather3A_216 : vector<16xf32>
        %add3A_222 = arith.addf %add3A_203, %mul3A_221 : vector<16xf32>
        %add3A_223 = arith.constant 48 : i32
        %add3A_224 = arith.addi %mul3A_165, %add3A_223 : i32
        %get3A_225 = arith.index_cast %add3A_224 : i32 to index
        %get3A_226 = tpu.vector_load %arg8[%get3A_225] {strides = array<i32>} : memref<4096xi32, #tpu.memory_space<vmem>>, vector<16xi32>,
        %and3A_227 = arith.constant 65535 : i32
        %and3A_228 = vector.broadcast %and3A_227 : i32 to vector<16xi32>
        %and3A_229 = arith.andi %get3A_226, %and3A_228 : vector<16xi32>
        %add3A_230 = vector.broadcast %mul3A_108 : i32 to vector<16xi32>
        %add3A_231 = arith.addi %and3A_229, %add3A_230 : vector<16xi32>
        %and3A_232 = arith.constant 32767 : i32
        %and3A_233 = vector.broadcast %and3A_232 : i32 to vector<16xi32>
        %and3A_234 = arith.andi %add3A_231, %and3A_233 : vector<16xi32>
        %gather3A_235 = tpu.vector_load_idx %arg7[%and3A_234] : memref<32768xf32, #tpu.memory_space<vmem>>[vector<16xi32>], vector<16xf32>,
        %and3A_236 = arith.constant -65536 : i32
        %and3A_237 = vector.broadcast %and3A_236 : i32 to vector<16xi32>
        %and3A_238 = arith.andi %get3A_226, %and3A_237 : vector<16xi32>
        %bitcast3A_239 = vector.bitcast %and3A_238 : vector<16xi32> to vector<16xf32>
        %mul3A_240 = arith.mulf %bitcast3A_239, %gather3A_235 : vector<16xf32>
        %add3A_241 = arith.addf %add3A_222, %mul3A_240 : vector<16xf32>
        %add3A_242 = arith.constant 64 : i32
        %add3A_243 = arith.addi %mul3A_165, %add3A_242 : i32
        %get3A_244 = arith.index_cast %add3A_243 : i32 to index
        %get3A_245 = tpu.vector_load %arg8[%get3A_244] {strides = array<i32>} : memref<4096xi32, #tpu.memory_space<vmem>>, vector<16xi32>,
        %and3A_246 = arith.constant 65535 : i32
        %and3A_247 = vector.broadcast %and3A_246 : i32 to vector<16xi32>
        %and3A_248 = arith.andi %get3A_245, %and3A_247 : vector<16xi32>
        %add3A_249 = vector.broadcast %mul3A_108 : i32 to vector<16xi32>
        %add3A_250 = arith.addi %and3A_248, %add3A_249 : vector<16xi32>
        %and3A_251 = arith.constant 32767 : i32
        %and3A_252 = vector.broadcast %and3A_251 : i32 to vector<16xi32>
        %and3A_253 = arith.andi %add3A_250, %and3A_252 : vector<16xi32>
        %gather3A_254 = tpu.vector_load_idx %arg7[%and3A_253] : memref<32768xf32, #tpu.memory_space<vmem>>[vector<16xi32>], vector<16xf32>,
        %and3A_255 = arith.constant -65536 : i32
        %and3A_256 = vector.broadcast %and3A_255 : i32 to vector<16xi32>
        %and3A_257 = arith.andi %get3A_245, %and3A_256 : vector<16xi32>
        %bitcast3A_258 = vector.bitcast %and3A_257 : vector<16xi32> to vector<16xf32>
        %mul3A_259 = arith.mulf %bitcast3A_258, %gather3A_254 : vector<16xf32>
        %add3A_260 = arith.addf %add3A_241, %mul3A_259 : vector<16xf32>
        %add3A_261 = arith.constant 80 : i32
        %add3A_262 = arith.addi %mul3A_165, %add3A_261 : i32
        %get3A_263 = arith.index_cast %add3A_262 : i32 to index
        %get3A_264 = tpu.vector_load %arg8[%get3A_263] {strides = array<i32>} : memref<4096xi32, #tpu.memory_space<vmem>>, vector<16xi32>,
        %and3A_265 = arith.constant 65535 : i32
        %and3A_266 = vector.broadcast %and3A_265 : i32 to vector<16xi32>
        %and3A_267 = arith.andi %get3A_264, %and3A_266 : vector<16xi32>
        %add3A_268 = vector.broadcast %mul3A_108 : i32 to vector<16xi32>
        %add3A_269 = arith.addi %and3A_267, %add3A_268 : vector<16xi32>
        %and3A_270 = arith.constant 32767 : i32
        %and3A_271 = vector.broadcast %and3A_270 : i32 to vector<16xi32>
        %and3A_272 = arith.andi %add3A_269, %and3A_271 : vector<16xi32>
        %gather3A_273 = tpu.vector_load_idx %arg7[%and3A_272] : memref<32768xf32, #tpu.memory_space<vmem>>[vector<16xi32>], vector<16xf32>,
        %and3A_274 = arith.constant -65536 : i32
        %and3A_275 = vector.broadcast %and3A_274 : i32 to vector<16xi32>
        %and3A_276 = arith.andi %get3A_264, %and3A_275 : vector<16xi32>
        %bitcast3A_277 = vector.bitcast %and3A_276 : vector<16xi32> to vector<16xf32>
        %mul3A_278 = arith.mulf %bitcast3A_277, %gather3A_273 : vector<16xf32>
        %add3A_279 = arith.addf %add3A_260, %mul3A_278 : vector<16xf32>
        %add3A_280 = arith.constant 96 : i32
        %add3A_281 = arith.addi %mul3A_165, %add3A_280 : i32
        %get3A_282 = arith.index_cast %add3A_281 : i32 to index
        %get3A_283 = tpu.vector_load %arg8[%get3A_282] {strides = array<i32>} : memref<4096xi32, #tpu.memory_space<vmem>>, vector<16xi32>,
        %and3A_284 = arith.constant 65535 : i32
        %and3A_285 = vector.broadcast %and3A_284 : i32 to vector<16xi32>
        %and3A_286 = arith.andi %get3A_283, %and3A_285 : vector<16xi32>
        %add3A_287 = vector.broadcast %mul3A_108 : i32 to vector<16xi32>
        %add3A_288 = arith.addi %and3A_286, %add3A_287 : vector<16xi32>
        %and3A_289 = arith.constant 32767 : i32
        %and3A_290 = vector.broadcast %and3A_289 : i32 to vector<16xi32>
        %and3A_291 = arith.andi %add3A_288, %and3A_290 : vector<16xi32>
        %gather3A_292 = tpu.vector_load_idx %arg7[%and3A_291] : memref<32768xf32, #tpu.memory_space<vmem>>[vector<16xi32>], vector<16xf32>,
        %and3A_293 = arith.constant -65536 : i32
        %and3A_294 = vector.broadcast %and3A_293 : i32 to vector<16xi32>
        %and3A_295 = arith.andi %get3A_283, %and3A_294 : vector<16xi32>
        %bitcast3A_296 = vector.bitcast %and3A_295 : vector<16xi32> to vector<16xf32>
        %mul3A_297 = arith.mulf %bitcast3A_296, %gather3A_292 : vector<16xf32>
        %add3A_298 = arith.addf %add3A_279, %mul3A_297 : vector<16xf32>
        %add3A_299 = arith.constant 112 : i32
        %add3A_300 = arith.addi %mul3A_165, %add3A_299 : i32
        %get3A_301 = arith.index_cast %add3A_300 : i32 to index
        %get3A_302 = tpu.vector_load %arg8[%get3A_301] {strides = array<i32>} : memref<4096xi32, #tpu.memory_space<vmem>>, vector<16xi32>,
        %and3A_303 = arith.constant 65535 : i32
        %and3A_304 = vector.broadcast %and3A_303 : i32 to vector<16xi32>
        %and3A_305 = arith.andi %get3A_302, %and3A_304 : vector<16xi32>
        %add3A_306 = vector.broadcast %mul3A_108 : i32 to vector<16xi32>
        %add3A_307 = arith.addi %and3A_305, %add3A_306 : vector<16xi32>
        %and3A_308 = arith.constant 32767 : i32
        %and3A_309 = vector.broadcast %and3A_308 : i32 to vector<16xi32>
        %and3A_310 = arith.andi %add3A_307, %and3A_309 : vector<16xi32>
        %gather3A_311 = tpu.vector_load_idx %arg7[%and3A_310] : memref<32768xf32, #tpu.memory_space<vmem>>[vector<16xi32>], vector<16xf32>,
        %and3A_312 = arith.constant -65536 : i32
        %and3A_313 = vector.broadcast %and3A_312 : i32 to vector<16xi32>
        %and3A_314 = arith.andi %get3A_302, %and3A_313 : vector<16xi32>
        %bitcast3A_315 = vector.bitcast %and3A_314 : vector<16xi32> to vector<16xf32>
        %mul3A_316 = arith.mulf %bitcast3A_315, %gather3A_311 : vector<16xf32>
        %add3A_317 = arith.addf %add3A_298, %mul3A_316 : vector<16xf32>
        %add3A_318 = arith.constant 128 : i32
        %add3A_319 = arith.addi %mul3A_165, %add3A_318 : i32
        %get3A_320 = arith.index_cast %add3A_319 : i32 to index
        %get3A_321 = tpu.vector_load %arg8[%get3A_320] {strides = array<i32>} : memref<4096xi32, #tpu.memory_space<vmem>>, vector<16xi32>,
        %and3A_322 = arith.constant 65535 : i32
        %and3A_323 = vector.broadcast %and3A_322 : i32 to vector<16xi32>
        %and3A_324 = arith.andi %get3A_321, %and3A_323 : vector<16xi32>
        %add3A_325 = vector.broadcast %mul3A_108 : i32 to vector<16xi32>
        %add3A_326 = arith.addi %and3A_324, %add3A_325 : vector<16xi32>
        %and3A_327 = arith.constant 32767 : i32
        %and3A_328 = vector.broadcast %and3A_327 : i32 to vector<16xi32>
        %and3A_329 = arith.andi %add3A_326, %and3A_328 : vector<16xi32>
        %gather3A_330 = tpu.vector_load_idx %arg7[%and3A_329] : memref<32768xf32, #tpu.memory_space<vmem>>[vector<16xi32>], vector<16xf32>,
        %and3A_331 = arith.constant -65536 : i32
        %and3A_332 = vector.broadcast %and3A_331 : i32 to vector<16xi32>
        %and3A_333 = arith.andi %get3A_321, %and3A_332 : vector<16xi32>
        %bitcast3A_334 = vector.bitcast %and3A_333 : vector<16xi32> to vector<16xf32>
        %mul3A_335 = arith.mulf %bitcast3A_334, %gather3A_330 : vector<16xf32>
        %add3A_336 = arith.addf %add3A_317, %mul3A_335 : vector<16xf32>
        %add3A_337 = arith.constant 144 : i32
        %add3A_338 = arith.addi %mul3A_165, %add3A_337 : i32
        %get3A_339 = arith.index_cast %add3A_338 : i32 to index
        %get3A_340 = tpu.vector_load %arg8[%get3A_339] {strides = array<i32>} : memref<4096xi32, #tpu.memory_space<vmem>>, vector<16xi32>,
        %and3A_341 = arith.constant 65535 : i32
        %and3A_342 = vector.broadcast %and3A_341 : i32 to vector<16xi32>
        %and3A_343 = arith.andi %get3A_340, %and3A_342 : vector<16xi32>
        %add3A_344 = vector.broadcast %mul3A_108 : i32 to vector<16xi32>
        %add3A_345 = arith.addi %and3A_343, %add3A_344 : vector<16xi32>
        %and3A_346 = arith.constant 32767 : i32
        %and3A_347 = vector.broadcast %and3A_346 : i32 to vector<16xi32>
        %and3A_348 = arith.andi %add3A_345, %and3A_347 : vector<16xi32>
        %gather3A_349 = tpu.vector_load_idx %arg7[%and3A_348] : memref<32768xf32, #tpu.memory_space<vmem>>[vector<16xi32>], vector<16xf32>,
        %and3A_350 = arith.constant -65536 : i32
        %and3A_351 = vector.broadcast %and3A_350 : i32 to vector<16xi32>
        %and3A_352 = arith.andi %get3A_340, %and3A_351 : vector<16xi32>
        %bitcast3A_353 = vector.bitcast %and3A_352 : vector<16xi32> to vector<16xf32>
        %mul3A_354 = arith.mulf %bitcast3A_353, %gather3A_349 : vector<16xf32>
        %add3A_355 = arith.addf %add3A_336, %mul3A_354 : vector<16xf32>
        %add3A_356 = arith.constant 160 : i32
        %add3A_357 = arith.addi %mul3A_165, %add3A_356 : i32
        %get3A_358 = arith.index_cast %add3A_357 : i32 to index
        %get3A_359 = tpu.vector_load %arg8[%get3A_358] {strides = array<i32>} : memref<4096xi32, #tpu.memory_space<vmem>>, vector<16xi32>,
        %and3A_360 = arith.constant 65535 : i32
        %and3A_361 = vector.broadcast %and3A_360 : i32 to vector<16xi32>
        %and3A_362 = arith.andi %get3A_359, %and3A_361 : vector<16xi32>
        %add3A_363 = vector.broadcast %mul3A_108 : i32 to vector<16xi32>
        %add3A_364 = arith.addi %and3A_362, %add3A_363 : vector<16xi32>
        %and3A_365 = arith.constant 32767 : i32
        %and3A_366 = vector.broadcast %and3A_365 : i32 to vector<16xi32>
        %and3A_367 = arith.andi %add3A_364, %and3A_366 : vector<16xi32>
        %gather3A_368 = tpu.vector_load_idx %arg7[%and3A_367] : memref<32768xf32, #tpu.memory_space<vmem>>[vector<16xi32>], vector<16xf32>,
        %and3A_369 = arith.constant -65536 : i32
        %and3A_370 = vector.broadcast %and3A_369 : i32 to vector<16xi32>
        %and3A_371 = arith.andi %get3A_359, %and3A_370 : vector<16xi32>
        %bitcast3A_372 = vector.bitcast %and3A_371 : vector<16xi32> to vector<16xf32>
        %mul3A_373 = arith.mulf %bitcast3A_372, %gather3A_368 : vector<16xf32>
        %add3A_374 = arith.addf %add3A_355, %mul3A_373 : vector<16xf32>
        %add3A_375 = arith.constant 176 : i32
        %add3A_376 = arith.addi %mul3A_165, %add3A_375 : i32
        %get3A_377 = arith.index_cast %add3A_376 : i32 to index
        %get3A_378 = tpu.vector_load %arg8[%get3A_377] {strides = array<i32>} : memref<4096xi32, #tpu.memory_space<vmem>>, vector<16xi32>,
        %and3A_379 = arith.constant 65535 : i32
        %and3A_380 = vector.broadcast %and3A_379 : i32 to vector<16xi32>
        %and3A_381 = arith.andi %get3A_378, %and3A_380 : vector<16xi32>
        %add3A_382 = vector.broadcast %mul3A_108 : i32 to vector<16xi32>
        %add3A_383 = arith.addi %and3A_381, %add3A_382 : vector<16xi32>
        %and3A_384 = arith.constant 32767 : i32
        %and3A_385 = vector.broadcast %and3A_384 : i32 to vector<16xi32>
        %and3A_386 = arith.andi %add3A_383, %and3A_385 : vector<16xi32>
        %gather3A_387 = tpu.vector_load_idx %arg7[%and3A_386] : memref<32768xf32, #tpu.memory_space<vmem>>[vector<16xi32>], vector<16xf32>,
        %and3A_388 = arith.constant -65536 : i32
        %and3A_389 = vector.broadcast %and3A_388 : i32 to vector<16xi32>
        %and3A_390 = arith.andi %get3A_378, %and3A_389 : vector<16xi32>
        %bitcast3A_391 = vector.bitcast %and3A_390 : vector<16xi32> to vector<16xf32>
        %mul3A_392 = arith.mulf %bitcast3A_391, %gather3A_387 : vector<16xf32>
        %add3A_393 = arith.addf %add3A_374, %mul3A_392 : vector<16xf32>
        %add3A_394 = arith.constant 192 : i32
        %add3A_395 = arith.addi %mul3A_165, %add3A_394 : i32
        %get3A_396 = arith.index_cast %add3A_395 : i32 to index
        %get3A_397 = tpu.vector_load %arg8[%get3A_396] {strides = array<i32>} : memref<4096xi32, #tpu.memory_space<vmem>>, vector<16xi32>,
        %and3A_398 = arith.constant 65535 : i32
        %and3A_399 = vector.broadcast %and3A_398 : i32 to vector<16xi32>
        %and3A_400 = arith.andi %get3A_397, %and3A_399 : vector<16xi32>
        %add3A_401 = vector.broadcast %mul3A_108 : i32 to vector<16xi32>
        %add3A_402 = arith.addi %and3A_400, %add3A_401 : vector<16xi32>
        %and3A_403 = arith.constant 32767 : i32
        %and3A_404 = vector.broadcast %and3A_403 : i32 to vector<16xi32>
        %and3A_405 = arith.andi %add3A_402, %and3A_404 : vector<16xi32>
        %gather3A_406 = tpu.vector_load_idx %arg7[%and3A_405] : memref<32768xf32, #tpu.memory_space<vmem>>[vector<16xi32>], vector<16xf32>,
        %and3A_407 = arith.constant -65536 : i32
        %and3A_408 = vector.broadcast %and3A_407 : i32 to vector<16xi32>
        %and3A_409 = arith.andi %get3A_397, %and3A_408 : vector<16xi32>
        %bitcast3A_410 = vector.bitcast %and3A_409 : vector<16xi32> to vector<16xf32>
        %mul3A_411 = arith.mulf %bitcast3A_410, %gather3A_406 : vector<16xf32>
        %add3A_412 = arith.addf %add3A_393, %mul3A_411 : vector<16xf32>
        %add3A_413 = arith.constant 208 : i32
        %add3A_414 = arith.addi %mul3A_165, %add3A_413 : i32
        %get3A_415 = arith.index_cast %add3A_414 : i32 to index
        %get3A_416 = tpu.vector_load %arg8[%get3A_415] {strides = array<i32>} : memref<4096xi32, #tpu.memory_space<vmem>>, vector<16xi32>,
        %and3A_417 = arith.constant 65535 : i32
        %and3A_418 = vector.broadcast %and3A_417 : i32 to vector<16xi32>
        %and3A_419 = arith.andi %get3A_416, %and3A_418 : vector<16xi32>
        %add3A_420 = vector.broadcast %mul3A_108 : i32 to vector<16xi32>
        %add3A_421 = arith.addi %and3A_419, %add3A_420 : vector<16xi32>
        %and3A_422 = arith.constant 32767 : i32
        %and3A_423 = vector.broadcast %and3A_422 : i32 to vector<16xi32>
        %and3A_424 = arith.andi %add3A_421, %and3A_423 : vector<16xi32>
        %gather3A_425 = tpu.vector_load_idx %arg7[%and3A_424] : memref<32768xf32, #tpu.memory_space<vmem>>[vector<16xi32>], vector<16xf32>,
        %and3A_426 = arith.constant -65536 : i32
        %and3A_427 = vector.broadcast %and3A_426 : i32 to vector<16xi32>
        %and3A_428 = arith.andi %get3A_416, %and3A_427 : vector<16xi32>
        %bitcast3A_429 = vector.bitcast %and3A_428 : vector<16xi32> to vector<16xf32>
        %mul3A_430 = arith.mulf %bitcast3A_429, %gather3A_425 : vector<16xf32>
        %add3A_431 = arith.addf %add3A_412, %mul3A_430 : vector<16xf32>
        %add3A_432 = arith.constant 224 : i32
        %add3A_433 = arith.addi %mul3A_165, %add3A_432 : i32
        %get3A_434 = arith.index_cast %add3A_433 : i32 to index
        %get3A_435 = tpu.vector_load %arg8[%get3A_434] {strides = array<i32>} : memref<4096xi32, #tpu.memory_space<vmem>>, vector<16xi32>,
        %and3A_436 = arith.constant 65535 : i32
        %and3A_437 = vector.broadcast %and3A_436 : i32 to vector<16xi32>
        %and3A_438 = arith.andi %get3A_435, %and3A_437 : vector<16xi32>
        %add3A_439 = vector.broadcast %mul3A_108 : i32 to vector<16xi32>
        %add3A_440 = arith.addi %and3A_438, %add3A_439 : vector<16xi32>
        %and3A_441 = arith.constant 32767 : i32
        %and3A_442 = vector.broadcast %and3A_441 : i32 to vector<16xi32>
        %and3A_443 = arith.andi %add3A_440, %and3A_442 : vector<16xi32>
        %gather3A_444 = tpu.vector_load_idx %arg7[%and3A_443] : memref<32768xf32, #tpu.memory_space<vmem>>[vector<16xi32>], vector<16xf32>,
        %and3A_445 = arith.constant -65536 : i32
        %and3A_446 = vector.broadcast %and3A_445 : i32 to vector<16xi32>
        %and3A_447 = arith.andi %get3A_435, %and3A_446 : vector<16xi32>
        %bitcast3A_448 = vector.bitcast %and3A_447 : vector<16xi32> to vector<16xf32>
        %mul3A_449 = arith.mulf %bitcast3A_448, %gather3A_444 : vector<16xf32>
        %add3A_450 = arith.addf %add3A_431, %mul3A_449 : vector<16xf32>
        %add3A_451 = arith.constant 240 : i32
        %add3A_452 = arith.addi %mul3A_165, %add3A_451 : i32
        %get3A_453 = arith.index_cast %add3A_452 : i32 to index
        %get3A_454 = tpu.vector_load %arg8[%get3A_453] {strides = array<i32>} : memref<4096xi32, #tpu.memory_space<vmem>>, vector<16xi32>,
        %and3A_455 = arith.constant 65535 : i32
        %and3A_456 = vector.broadcast %and3A_455 : i32 to vector<16xi32>
        %and3A_457 = arith.andi %get3A_454, %and3A_456 : vector<16xi32>
        %add3A_458 = vector.broadcast %mul3A_108 : i32 to vector<16xi32>
        %add3A_459 = arith.addi %and3A_457, %add3A_458 : vector<16xi32>
        %and3A_460 = arith.constant 32767 : i32
        %and3A_461 = vector.broadcast %and3A_460 : i32 to vector<16xi32>
        %and3A_462 = arith.andi %add3A_459, %and3A_461 : vector<16xi32>
        %gather3A_463 = tpu.vector_load_idx %arg7[%and3A_462] : memref<32768xf32, #tpu.memory_space<vmem>>[vector<16xi32>], vector<16xf32>,
        %and3A_464 = arith.constant -65536 : i32
        %and3A_465 = vector.broadcast %and3A_464 : i32 to vector<16xi32>
        %and3A_466 = arith.andi %get3A_454, %and3A_465 : vector<16xi32>
        %bitcast3A_467 = vector.bitcast %and3A_466 : vector<16xi32> to vector<16xf32>
        %mul3A_468 = arith.mulf %bitcast3A_467, %gather3A_463 : vector<16xf32>
        %add3A_469 = arith.addf %add3A_450, %mul3A_468 : vector<16xf32>
        %eq3A = vector.broadcast %scan3A_162 : i32 to vector<16xi32>
        %eq3A_470 = arith.cmpi eq, %iota3A, %eq3A : vector<16xi32>
        %reduce_sum3A = arith.constant true
        %reduce_sum3A_471 = vector.broadcast %reduce_sum3A : i1 to vector<16xi1>
        %reduce_sum3A_472 = tpu.scan <sum>, %add3A_469 masked %reduce_sum3A_471 : vector<16xf32>, vector<16xi1> -> vector<16xf32>
        %reduce_sum3A_473 = vector.extract %reduce_sum3A_472[15] : f32 from vector<16xf32>
        %broadcast_in_dim3A_474 = vector.broadcast %reduce_sum3A_473 : f32 to vector<16xf32>
        %select_n3A = arith.select %eq3A_470, %broadcast_in_dim3A_474, %scan3A_163 : vector<16xi1>, vector<16xf32>
        scf.yield %select_n3A : vector<16xf32>
      }
      %scan3A_116 = arith.constant 16 : i32
      %dma_wait3A = tpu.memref_slice %arg13[%and3A_99, %mul3A_101] : memref<2x256xf32, #tpu.memory_space<vmem_shared>> -> memref<1x16xf32, #tpu.memory_space<vmem_shared>>
      %dma_wait3A_117 = tpu.memref_squeeze %dma_wait3A : memref<1x16xf32, #tpu.memory_space<vmem_shared>> -> memref<16xf32, #tpu.memory_space<vmem_shared>>
      %dma_wait3A_118 = tpu.memref_slice %arg13[%and3A_99, %mul3A_101] : memref<2x256xf32, #tpu.memory_space<vmem_shared>> -> memref<1x16xf32, #tpu.memory_space<vmem_shared>>
      %dma_wait3A_119 = tpu.memref_squeeze %dma_wait3A_118 : memref<1x16xf32, #tpu.memory_space<vmem_shared>> -> memref<16xf32, #tpu.memory_space<vmem_shared>>
      tpu.wait_dma2 semaphore(%arg14 : memref<!tpu.dma_semaphore, #tpu.memory_space<semaphore_mem>>) src(%arg12 : memref<16xf32, #tpu.memory_space<vmem>>) dst(%dma_wait3A_119 : memref<16xf32, #tpu.memory_space<vmem_shared>>)
      %barrier3A = arith.constant 0 : index
      tpu.barrier barrier_id(%barrier3A)
      %add3A_120 = arith.constant 1 : i32
      %add3A_121 = arith.addi %scan3A_21, %add3A_120 : i32
      %and3A_122 = arith.constant 127 : i32
      %and3A_123 = arith.andi %add3A_121, %and3A_122 : i32
      %mul3A_124 = arith.constant 256 : i32
      %mul3A_125 = arith.muli %and3A_123, %mul3A_124 : i32
      "tpu.region"() ({
        %run_scoped3A = tpu.sem_alloc : memref<!tpu.dma_semaphore, #tpu.memory_space<semaphore_mem>>
        %dma_start3A_162 = tpu.memref_slice %arg7[%mul3A_125] : memref<32768xf32, #tpu.memory_space<vmem>> -> memref<256xf32, #tpu.memory_space<vmem>>
        %dma_start3A_163 = arith.constant 0 : i32
        %dma_start3A_164 = tpu.memref_slice %arg13[%and3A_99, %dma_start3A_163] : memref<2x256xf32, #tpu.memory_space<vmem_shared>> -> memref<1x256xf32, #tpu.memory_space<vmem_shared>>
        %dma_start3A_165 = tpu.memref_squeeze %dma_start3A_164 : memref<1x256xf32, #tpu.memory_space<vmem_shared>> -> memref<256xf32, #tpu.memory_space<vmem_shared>>
        %dma_start3A_166 = tpu.memref_slice %arg7[%mul3A_125] : memref<32768xf32, #tpu.memory_space<vmem>> -> memref<256xf32, #tpu.memory_space<vmem>>
        %dma_start3A_167 = arith.constant 0 : i32
        %dma_start3A_168 = tpu.memref_slice %arg13[%and3A_99, %dma_start3A_167] : memref<2x256xf32, #tpu.memory_space<vmem_shared>> -> memref<1x256xf32, #tpu.memory_space<vmem_shared>>
        %dma_start3A_169 = tpu.memref_squeeze %dma_start3A_168 : memref<1x256xf32, #tpu.memory_space<vmem_shared>> -> memref<256xf32, #tpu.memory_space<vmem_shared>>
        tpu.enqueue_dma source(%dma_start3A_169 : memref<256xf32, #tpu.memory_space<vmem_shared>>) target(%dma_start3A_166 : memref<256xf32, #tpu.memory_space<vmem>>) target_semaphore(%run_scoped3A : memref<!tpu.dma_semaphore, #tpu.memory_space<semaphore_mem>>)
        %dma_wait3A_170 = tpu.memref_slice %arg7[%mul3A_125] : memref<32768xf32, #tpu.memory_space<vmem>> -> memref<256xf32, #tpu.memory_space<vmem>>
        %dma_wait3A_171 = arith.constant 0 : i32
        %dma_wait3A_172 = tpu.memref_slice %arg13[%and3A_99, %dma_wait3A_171] : memref<2x256xf32, #tpu.memory_space<vmem_shared>> -> memref<1x256xf32, #tpu.memory_space<vmem_shared>>
        %dma_wait3A_173 = tpu.memref_squeeze %dma_wait3A_172 : memref<1x256xf32, #tpu.memory_space<vmem_shared>> -> memref<256xf32, #tpu.memory_space<vmem_shared>>
        %dma_wait3A_174 = tpu.memref_slice %arg7[%mul3A_125] : memref<32768xf32, #tpu.memory_space<vmem>> -> memref<256xf32, #tpu.memory_space<vmem>>
        %dma_wait3A_175 = arith.constant 0 : i32
        %dma_wait3A_176 = tpu.memref_slice %arg13[%and3A_99, %dma_wait3A_175] : memref<2x256xf32, #tpu.memory_space<vmem_shared>> -> memref<1x256xf32, #tpu.memory_space<vmem_shared>>
        %dma_wait3A_177 = tpu.memref_squeeze %dma_wait3A_176 : memref<1x256xf32, #tpu.memory_space<vmem_shared>> -> memref<256xf32, #tpu.memory_space<vmem_shared>>
        tpu.wait_dma2 semaphore(%run_scoped3A : memref<!tpu.dma_semaphore, #tpu.memory_space<semaphore_mem>>) src(%dma_wait3A_177 : memref<256xf32, #tpu.memory_space<vmem_shared>>) dst(%dma_wait3A_174 : memref<256xf32, #tpu.memory_space<vmem>>)
        tpu.yield
      }) : () -> ()
      %mul3A_126 = arith.mulf %get3A_8, %scan3A_115 : vector<16xf32>
      %mul3A_127 = arith.constant 31.415926 : f32
      %mul3A_128 = vector.broadcast %mul3A_127 : f32 to vector<16xf32>
      %mul3A_129 = arith.mulf %mul3A_128, %min3A_62 : vector<16xf32>
      %mul3A_130 = arith.mulf %min3A_73, %min3A_73 : vector<16xf32>
      %add3A_131 = arith.addf %mul3A_130, %get3A_0 : vector<16xf32>
      %mul3A_132 = arith.mulf %get3A_2, %min3A_62 : vector<16xf32>
      %add3A_133 = arith.addf %add3A_131, %mul3A_132 : vector<16xf32>
      %add3A_134 = arith.addf %add3A_133, %mul3A_126 : vector<16xf32>
      %mul3A_135 = arith.mulf %mul3A_129, %mul3A_129 : vector<16xf32>
      %sub3A_136 = arith.subf %add3A_134, %mul3A_135 : vector<16xf32>
      %div3A_137 = arith.constant 1.000000e+01 : f32
      %div3A_138 = vector.broadcast %div3A_137 : f32 to vector<16xf32>
      %div3A_139 = arith.divf %sub3A_136, %div3A_138 : vector<16xf32>
      %add3A_140 = arith.addf %div3A_54, %div3A_139 : vector<16xf32>
      %mul3A_141 = arith.constant 5.000000e-02 : f32
      %mul3A_142 = vector.broadcast %mul3A_141 : f32 to vector<16xf32>
      %mul3A_143 = arith.mulf %mul3A_142, %add3A_140 : vector<16xf32>
      %add3A_144 = arith.addf %scan3A_23, %mul3A_143 : vector<16xf32>
      %add3A_145 = arith.addf %add3A_144, %get3A_32 : vector<16xf32>
      %jit3A_146 = arith.constant -6.000000e+01 : f32
      %jit3A_147 = arith.constant 6.000000e+01 : f32
      %max3A_148 = vector.broadcast %jit3A_146 : f32 to vector<16xf32>
      %max3A_149 = arith.maximumf %max3A_148, %add3A_145 : vector<16xf32>
      %min3A_150 = vector.broadcast %jit3A_147 : f32 to vector<16xf32>
      %min3A_151 = arith.minimumf %min3A_150, %max3A_149 : vector<16xf32>
      %mul3A_152 = arith.constant 32 : i32
      %mul3A_153 = arith.muli %scan3A_21, %mul3A_152 : i32
      %swap3A_154 = arith.index_cast %mul3A_153 : i32 to index
      %swap3A_155 = tpu.vector_load %arg10[%swap3A_154] {strides = array<i32>} : memref<32000xf32, #tpu.memory_space<vmem>>, vector<16xf32>,
      tpu.vector_store %arg10[%swap3A_154], %min3A_95 {strides = array<i32>} : memref<32000xf32, #tpu.memory_space<vmem>>, vector<16xf32>,
      %mul3A_156 = arith.constant 32 : i32
      %mul3A_157 = arith.muli %scan3A_21, %mul3A_156 : i32
      %add3A_158 = arith.constant 16 : i32
      %add3A_159 = arith.addi %mul3A_157, %add3A_158 : i32
      %swap3A_160 = arith.index_cast %add3A_159 : i32 to index
      %swap3A_161 = tpu.vector_load %arg10[%swap3A_160] {strides = array<i32>} : memref<32000xf32, #tpu.memory_space<vmem>>, vector<16xf32>,
      tpu.vector_store %arg10[%swap3A_160], %min3A_151 {strides = array<i32>} : memref<32000xf32, #tpu.memory_space<vmem>>, vector<16xf32>,
      scf.yield %min3A_95, %min3A_151, %scan3A_115 : vector<16xf32>, vector<16xf32>, vector<16xf32>
    }
    %scan3A_20 = arith.constant 1000 : i32
    "tpu.region"() ({
      %run_scoped3A = tpu.sem_alloc : memref<!tpu.dma_semaphore, #tpu.memory_space<semaphore_mem>>
      %dma_start3A = arith.constant 0 : i32
      %dma_start3A_21 = tpu.memref_slice %arg6[%arg1, %dma_start3A] : memref<16x32000xf32, #tpu.memory_space<hbm>> -> memref<1x32000xf32, #tpu.memory_space<hbm>>
      %dma_start3A_22 = tpu.memref_squeeze %dma_start3A_21 : memref<1x32000xf32, #tpu.memory_space<hbm>> -> memref<32000xf32, #tpu.memory_space<hbm>>
      %dma_start3A_23 = arith.constant 0 : i32
      %dma_start3A_24 = tpu.memref_slice %arg6[%arg1, %dma_start3A_23] : memref<16x32000xf32, #tpu.memory_space<hbm>> -> memref<1x32000xf32, #tpu.memory_space<hbm>>
      %dma_start3A_25 = tpu.memref_squeeze %dma_start3A_24 : memref<1x32000xf32, #tpu.memory_space<hbm>> -> memref<32000xf32, #tpu.memory_space<hbm>>
      tpu.enqueue_dma source(%arg10 : memref<32000xf32, #tpu.memory_space<vmem>>) target(%dma_start3A_25 : memref<32000xf32, #tpu.memory_space<hbm>>) target_semaphore(%run_scoped3A : memref<!tpu.dma_semaphore, #tpu.memory_space<semaphore_mem>>)
      %dma_wait3A = arith.constant 0 : i32
      %dma_wait3A_26 = tpu.memref_slice %arg6[%arg1, %dma_wait3A] : memref<16x32000xf32, #tpu.memory_space<hbm>> -> memref<1x32000xf32, #tpu.memory_space<hbm>>
      %dma_wait3A_27 = tpu.memref_squeeze %dma_wait3A_26 : memref<1x32000xf32, #tpu.memory_space<hbm>> -> memref<32000xf32, #tpu.memory_space<hbm>>
      %dma_wait3A_28 = arith.constant 0 : i32
      %dma_wait3A_29 = tpu.memref_slice %arg6[%arg1, %dma_wait3A_28] : memref<16x32000xf32, #tpu.memory_space<hbm>> -> memref<1x32000xf32, #tpu.memory_space<hbm>>
      %dma_wait3A_30 = tpu.memref_squeeze %dma_wait3A_29 : memref<1x32000xf32, #tpu.memory_space<hbm>> -> memref<32000xf32, #tpu.memory_space<hbm>>
      tpu.wait_dma2 semaphore(%run_scoped3A : memref<!tpu.dma_semaphore, #tpu.memory_space<semaphore_mem>>) src(%arg10 : memref<32000xf32, #tpu.memory_space<vmem>>) dst(%dma_wait3A_30 : memref<32000xf32, #tpu.memory_space<hbm>>)
      tpu.yield
    }) : () -> ()
    return
  }
}

module attributes {stable_mosaic.version = 14 : i64} {
  func.func @_bold_body(%arg0: memref<1000x256xf32, #tpu.memory_space<vmem>>, %arg1: memref<1x256xf32, #tpu.memory_space<vmem>>, %arg2: memref<4x256xf32, #tpu.memory_space<vmem>>) attributes {dimension_semantics = [], scalar_prefetch = 0 : i64, scratch_operands = 1 : i64, tpu.core_type = #tpu.core_type<tc>} {
    %broadcast_in_dim3A = arith.constant 1.000000e+00 : f32
    %broadcast_in_dim3A_0 = vector.broadcast %broadcast_in_dim3A : f32 to vector<4x256xf32>
    %swap3A = arith.constant 0 : index
    %swap3A_1 = arith.constant 0 : index
    %swap3A_2 = vector.load %arg2[%swap3A, %swap3A_1] : memref<4x256xf32, #tpu.memory_space<vmem>>, vector<4x256xf32>
    tpu.vector_store %arg2[%swap3A, %swap3A_1], %broadcast_in_dim3A_0 {strides = array<i32>} : memref<4x256xf32, #tpu.memory_space<vmem>>, vector<4x256xf32>,
    %scan3A = arith.constant 0 : i32
    %scan3A_3 = arith.constant 1000 : i32
    %scan3A_4 = arith.addi %scan3A, %scan3A_3 : i32
    %scan3A_5 = arith.constant 1 : i32
    scf.for %scan3A_35 = %scan3A to %scan3A_4 step %scan3A_5  : i32 {
      %get3A_36 = arith.constant 0 : index
      %get3A_37 = arith.constant 0 : index
      %get3A_38 = vector.load %arg2[%get3A_36, %get3A_37] : memref<4x256xf32, #tpu.memory_space<vmem>>, vector<1x256xf32>
      %get3A_39 = arith.constant 1 : index
      %get3A_40 = arith.constant 0 : index
      %get3A_41 = vector.load %arg2[%get3A_39, %get3A_40] : memref<4x256xf32, #tpu.memory_space<vmem>>, vector<1x256xf32>
      %get3A_42 = arith.constant 2 : index
      %get3A_43 = arith.constant 0 : index
      %get3A_44 = vector.load %arg2[%get3A_42, %get3A_43] : memref<4x256xf32, #tpu.memory_space<vmem>>, vector<1x256xf32>
      %get3A_45 = arith.constant 3 : index
      %get3A_46 = arith.constant 0 : index
      %get3A_47 = vector.load %arg2[%get3A_45, %get3A_46] : memref<4x256xf32, #tpu.memory_space<vmem>>, vector<1x256xf32>
      %get3A_48 = arith.index_cast %scan3A_35 : i32 to index
      %get3A_49 = arith.constant 0 : index
      %get3A_50 = vector.load %arg0[%get3A_48, %get3A_49] : memref<1000x256xf32, #tpu.memory_space<vmem>>, vector<1x256xf32>
      %log3A = math.log %get3A_44 : vector<1x256xf32>
      %mul3A_51 = arith.constant 3.125000e+00 : f32
      %mul3A_52 = vector.broadcast %mul3A_51 : f32 to vector<1x256xf32>
      %mul3A_53 = arith.mulf %mul3A_52, %log3A : vector<1x256xf32>
      %exp3A = math.exp %mul3A_53 : vector<1x256xf32>
      %mul3A_54 = arith.constant 1.53846157 : f32
      %mul3A_55 = vector.broadcast %mul3A_54 : f32 to vector<1x256xf32>
      %mul3A_56 = arith.mulf %mul3A_55, %get3A_38 : vector<1x256xf32>
      %sub3A_57 = arith.subf %get3A_50, %mul3A_56 : vector<1x256xf32>
      %sub3A_58 = arith.constant 1.000000e+00 : f32
      %sub3A_59 = vector.broadcast %sub3A_58 : f32 to vector<1x256xf32>
      %sub3A_60 = arith.subf %get3A_41, %sub3A_59 : vector<1x256xf32>
      %mul3A_61 = arith.constant 2.43902445 : f32
      %mul3A_62 = vector.broadcast %mul3A_61 : f32 to vector<1x256xf32>
      %mul3A_63 = arith.mulf %mul3A_62, %sub3A_60 : vector<1x256xf32>
      %sub3A_64 = arith.subf %sub3A_57, %mul3A_63 : vector<1x256xf32>
      %sub3A_65 = arith.subf %get3A_41, %exp3A : vector<1x256xf32>
      %div3A_66 = arith.constant 9.800000e-01 : f32
      %div3A_67 = vector.broadcast %div3A_66 : f32 to vector<1x256xf32>
      %div3A_68 = arith.divf %sub3A_65, %div3A_67 : vector<1x256xf32>
      %div3A_69 = arith.constant -0.510825634 : f32
      %div3A_70 = vector.broadcast %div3A_69 : f32 to vector<1x256xf32>
      %div3A_71 = arith.divf %div3A_70, %get3A_41 : vector<1x256xf32>
      %exp3A_72 = math.exp %div3A_71 : vector<1x256xf32>
      %sub3A_73 = arith.constant 1.000000e+00 : f32
      %sub3A_74 = vector.broadcast %sub3A_73 : f32 to vector<1x256xf32>
      %sub3A_75 = arith.subf %sub3A_74, %exp3A_72 : vector<1x256xf32>
      %mul3A_76 = arith.mulf %get3A_41, %sub3A_75 : vector<1x256xf32>
      %div3A_77 = arith.constant 4.000000e-01 : f32
      %div3A_78 = vector.broadcast %div3A_77 : f32 to vector<1x256xf32>
      %div3A_79 = arith.divf %mul3A_76, %div3A_78 : vector<1x256xf32>
      %mul3A_80 = arith.mulf %exp3A, %get3A_47 : vector<1x256xf32>
      %div3A_81 = arith.divf %mul3A_80, %get3A_44 : vector<1x256xf32>
      %sub3A_82 = arith.subf %div3A_79, %div3A_81 : vector<1x256xf32>
      %div3A_83 = arith.constant 9.800000e-01 : f32
      %div3A_84 = vector.broadcast %div3A_83 : f32 to vector<1x256xf32>
      %div3A_85 = arith.divf %sub3A_82, %div3A_84 : vector<1x256xf32>
      %mul3A_86 = arith.constant 0.00999999977 : f32
      %mul3A_87 = vector.broadcast %mul3A_86 : f32 to vector<1x256xf32>
      %mul3A_88 = arith.mulf %mul3A_87, %sub3A_64 : vector<1x256xf32>
      %add3A_89 = arith.addf %get3A_38, %mul3A_88 : vector<1x256xf32>
      %mul3A_90 = arith.constant 0.00999999977 : f32
      %mul3A_91 = vector.broadcast %mul3A_90 : f32 to vector<1x256xf32>
      %mul3A_92 = arith.mulf %mul3A_91, %get3A_38 : vector<1x256xf32>
      %add3A_93 = arith.addf %get3A_41, %mul3A_92 : vector<1x256xf32>
      %mul3A_94 = arith.constant 0.00999999977 : f32
      %mul3A_95 = vector.broadcast %mul3A_94 : f32 to vector<1x256xf32>
      %mul3A_96 = arith.mulf %mul3A_95, %div3A_68 : vector<1x256xf32>
      %add3A_97 = arith.addf %get3A_44, %mul3A_96 : vector<1x256xf32>
      %mul3A_98 = arith.constant 0.00999999977 : f32
      %mul3A_99 = vector.broadcast %mul3A_98 : f32 to vector<1x256xf32>
      %mul3A_100 = arith.mulf %mul3A_99, %div3A_85 : vector<1x256xf32>
      %add3A_101 = arith.addf %get3A_47, %mul3A_100 : vector<1x256xf32>
      %log3A_102 = math.log %add3A_97 : vector<1x256xf32>
      %mul3A_103 = arith.constant 3.125000e+00 : f32
      %mul3A_104 = vector.broadcast %mul3A_103 : f32 to vector<1x256xf32>
      %mul3A_105 = arith.mulf %mul3A_104, %log3A_102 : vector<1x256xf32>
      %exp3A_106 = math.exp %mul3A_105 : vector<1x256xf32>
      %mul3A_107 = arith.constant 1.53846157 : f32
      %mul3A_108 = vector.broadcast %mul3A_107 : f32 to vector<1x256xf32>
      %mul3A_109 = arith.mulf %mul3A_108, %add3A_89 : vector<1x256xf32>
      %sub3A_110 = arith.subf %get3A_50, %mul3A_109 : vector<1x256xf32>
      %sub3A_111 = arith.constant 1.000000e+00 : f32
      %sub3A_112 = vector.broadcast %sub3A_111 : f32 to vector<1x256xf32>
      %sub3A_113 = arith.subf %add3A_93, %sub3A_112 : vector<1x256xf32>
      %mul3A_114 = arith.constant 2.43902445 : f32
      %mul3A_115 = vector.broadcast %mul3A_114 : f32 to vector<1x256xf32>
      %mul3A_116 = arith.mulf %mul3A_115, %sub3A_113 : vector<1x256xf32>
      %sub3A_117 = arith.subf %sub3A_110, %mul3A_116 : vector<1x256xf32>
      %sub3A_118 = arith.subf %add3A_93, %exp3A_106 : vector<1x256xf32>
      %div3A_119 = arith.constant 9.800000e-01 : f32
      %div3A_120 = vector.broadcast %div3A_119 : f32 to vector<1x256xf32>
      %div3A_121 = arith.divf %sub3A_118, %div3A_120 : vector<1x256xf32>
      %div3A_122 = arith.constant -0.510825634 : f32
      %div3A_123 = vector.broadcast %div3A_122 : f32 to vector<1x256xf32>
      %div3A_124 = arith.divf %div3A_123, %add3A_93 : vector<1x256xf32>
      %exp3A_125 = math.exp %div3A_124 : vector<1x256xf32>
      %sub3A_126 = arith.constant 1.000000e+00 : f32
      %sub3A_127 = vector.broadcast %sub3A_126 : f32 to vector<1x256xf32>
      %sub3A_128 = arith.subf %sub3A_127, %exp3A_125 : vector<1x256xf32>
      %mul3A_129 = arith.mulf %add3A_93, %sub3A_128 : vector<1x256xf32>
      %div3A_130 = arith.constant 4.000000e-01 : f32
      %div3A_131 = vector.broadcast %div3A_130 : f32 to vector<1x256xf32>
      %div3A_132 = arith.divf %mul3A_129, %div3A_131 : vector<1x256xf32>
      %mul3A_133 = arith.mulf %exp3A_106, %add3A_101 : vector<1x256xf32>
      %div3A_134 = arith.divf %mul3A_133, %add3A_97 : vector<1x256xf32>
      %sub3A_135 = arith.subf %div3A_132, %div3A_134 : vector<1x256xf32>
      %div3A_136 = arith.constant 9.800000e-01 : f32
      %div3A_137 = vector.broadcast %div3A_136 : f32 to vector<1x256xf32>
      %div3A_138 = arith.divf %sub3A_135, %div3A_137 : vector<1x256xf32>
      %add3A_139 = arith.addf %sub3A_64, %sub3A_117 : vector<1x256xf32>
      %mul3A_140 = arith.constant 5.000000e-03 : f32
      %mul3A_141 = vector.broadcast %mul3A_140 : f32 to vector<1x256xf32>
      %mul3A_142 = arith.mulf %mul3A_141, %add3A_139 : vector<1x256xf32>
      %add3A_143 = arith.addf %get3A_38, %mul3A_142 : vector<1x256xf32>
      %add3A_144 = arith.addf %get3A_38, %add3A_89 : vector<1x256xf32>
      %mul3A_145 = arith.constant 5.000000e-03 : f32
      %mul3A_146 = vector.broadcast %mul3A_145 : f32 to vector<1x256xf32>
      %mul3A_147 = arith.mulf %mul3A_146, %add3A_144 : vector<1x256xf32>
      %add3A_148 = arith.addf %get3A_41, %mul3A_147 : vector<1x256xf32>
      %add3A_149 = arith.addf %div3A_68, %div3A_121 : vector<1x256xf32>
      %mul3A_150 = arith.constant 5.000000e-03 : f32
      %mul3A_151 = vector.broadcast %mul3A_150 : f32 to vector<1x256xf32>
      %mul3A_152 = arith.mulf %mul3A_151, %add3A_149 : vector<1x256xf32>
      %add3A_153 = arith.addf %get3A_44, %mul3A_152 : vector<1x256xf32>
      %add3A_154 = arith.addf %div3A_85, %div3A_138 : vector<1x256xf32>
      %mul3A_155 = arith.constant 5.000000e-03 : f32
      %mul3A_156 = vector.broadcast %mul3A_155 : f32 to vector<1x256xf32>
      %mul3A_157 = arith.mulf %mul3A_156, %add3A_154 : vector<1x256xf32>
      %add3A_158 = arith.addf %get3A_47, %mul3A_157 : vector<1x256xf32>
      %concatenate3A = tpu.concatenate %add3A_143, %add3A_148, %add3A_153, %add3A_158 in 0 : vector<1x256xf32>, vector<1x256xf32>, vector<1x256xf32>, vector<1x256xf32> -> vector<4x256xf32>
      %swap3A_159 = arith.constant 0 : index
      %swap3A_160 = arith.constant 0 : index
      %swap3A_161 = vector.load %arg2[%swap3A_159, %swap3A_160] : memref<4x256xf32, #tpu.memory_space<vmem>>, vector<4x256xf32>
      tpu.vector_store %arg2[%swap3A_159, %swap3A_160], %concatenate3A {strides = array<i32>} : memref<4x256xf32, #tpu.memory_space<vmem>>, vector<4x256xf32>,
    }
    %scan3A_6 = arith.constant 1000 : i32
    %get3A = arith.constant 2 : index
    %get3A_7 = arith.constant 0 : index
    %get3A_8 = vector.load %arg2[%get3A, %get3A_7] : memref<4x256xf32, #tpu.memory_space<vmem>>, vector<1x256xf32>
    %get3A_9 = arith.constant 3 : index
    %get3A_10 = arith.constant 0 : index
    %get3A_11 = vector.load %arg2[%get3A_9, %get3A_10] : memref<4x256xf32, #tpu.memory_space<vmem>>, vector<1x256xf32>
    %sub3A = arith.constant 1.000000e+00 : f32
    %sub3A_12 = vector.broadcast %sub3A : f32 to vector<1x256xf32>
    %sub3A_13 = arith.subf %sub3A_12, %get3A_11 : vector<1x256xf32>
    %mul3A = arith.constant 2.772640e+00 : f32
    %mul3A_14 = vector.broadcast %mul3A : f32 to vector<1x256xf32>
    %mul3A_15 = arith.mulf %mul3A_14, %sub3A_13 : vector<1x256xf32>
    %div3A = arith.divf %get3A_11, %get3A_8 : vector<1x256xf32>
    %sub3A_16 = arith.constant 1.000000e+00 : f32
    %sub3A_17 = vector.broadcast %sub3A_16 : f32 to vector<1x256xf32>
    %sub3A_18 = arith.subf %sub3A_17, %div3A : vector<1x256xf32>
    %mul3A_19 = arith.constant 2.000000e-01 : f32
    %mul3A_20 = vector.broadcast %mul3A_19 : f32 to vector<1x256xf32>
    %mul3A_21 = arith.mulf %mul3A_20, %sub3A_18 : vector<1x256xf32>
    %add3A = arith.addf %mul3A_15, %mul3A_21 : vector<1x256xf32>
    %sub3A_22 = arith.constant 1.000000e+00 : f32
    %sub3A_23 = vector.broadcast %sub3A_22 : f32 to vector<1x256xf32>
    %sub3A_24 = arith.subf %sub3A_23, %get3A_8 : vector<1x256xf32>
    %mul3A_25 = arith.constant 5.000000e-01 : f32
    %mul3A_26 = vector.broadcast %mul3A_25 : f32 to vector<1x256xf32>
    %mul3A_27 = arith.mulf %mul3A_26, %sub3A_24 : vector<1x256xf32>
    %add3A_28 = arith.addf %add3A, %mul3A_27 : vector<1x256xf32>
    %mul3A_29 = arith.constant 4.000000e+00 : f32
    %mul3A_30 = vector.broadcast %mul3A_29 : f32 to vector<1x256xf32>
    %mul3A_31 = arith.mulf %mul3A_30, %add3A_28 : vector<1x256xf32>
    %swap3A_32 = arith.constant 0 : index
    %swap3A_33 = arith.constant 0 : index
    %swap3A_34 = vector.load %arg1[%swap3A_32, %swap3A_33] : memref<1x256xf32, #tpu.memory_space<vmem>>, vector<1x256xf32>
    tpu.vector_store %arg1[%swap3A_32, %swap3A_33], %mul3A_31 {strides = array<i32>} : memref<1x256xf32, #tpu.memory_space<vmem>>, vector<1x256xf32>,
    return
  }
}

</mosaic_0001>

<sc_bundles>
// kernel: kernel.4.cloned.1.call-start
scs
__scs_entry_jumppad:
0x0: {  	(pc) =	sbr.rel $0x88, $3  }
0x1: {  	(tag) =	ssettag $0x0;
	lr =	simm.s32 $0x1  }
0x2: {  	[smem:$0x3F9C] =	sst lr;
	_ =	strace $0xD0000000  }
0x3: {  	_ = 	snop  }
0x4: {  	_ = 	snop  }
0x5: {  	_ = 	snop  }
0x6: {  	_ = 	snop  }
0x7: {  	_ = 	snop  }
__scs_overlays_trampoline_lowered:
0x8: {  	[smem:$0x3FAB] =	sst s0  }
0x9: {  	[smem:$0x3FAC] =	sst s1  }
0xa: {  	[smem:$0x3FAD] =	sst s2  }
0xb: {  	[smem:$0x3FAE] =	sst s3  }
0xc: {  	[smem:$0x3FAF] =	sst s4  }
0xd: {  	[smem:$0x3FB0] =	sst s5  }
0xe: {  	[smem:$0x3FB1] =	sst s6  }
0xf: {  	[smem:$0x3FB2] =	sst s7  }
0x10: {  	[smem:$0x3FB3] =	sst s8  }
0x11: {  	[smem:$0x3FB4] =	sst s9;
	s0 =	simm.s32 @!p0 $0x0  }
0x12: {  	s1 =	sld [smem:$0x3F9A];
	s0 =	simm.s32 @p0 $0x1  }
0x13: {  	[smem:$0x3FB5] =	sst s0;
	s0 =	simm.s32 @!p1 $0x0  }
0x14: {  	s2 =	sld [smem:$0x3F99];
	s0 =	simm.s32 @p1 $0x1  }
0x15: {  	[smem:$0x3FB6] =	sst s0;
	s0 =	simm.s32 @!p2 $0x0  }
0x16: {  	s3 =	sld [smem:$0x3FDB];
	s0 =	simm.s32 @p2 $0x1  }
0x17: {  	s4 =	simm.s32 $0x1BF5;
	[smem:$0x3FB8] =	sst s0  }
0x18: {  	s0 =	sld [smem:$0x3F9B];
	_ =	swait.ge [sflag:s4], $0x0  }
0x19: {  	s7 =	sld [smem:$0x3F9C]  }
0x1a: {  	s8 =	sadd.s32 $0xFFFFE003, lr  }
0x1b: {  	s9 =	sadd.s32 $0xFFFFFEF7, lr;
	s5 =	simm.s32 $0xFFFFFFFF;
	p2 =	slt.u32 s8, $0xFFFFF086  }
0x1c: {  	p1 =	slt.u32 s9, $0xF7A;
	s5 =	simm.s32 @!p2 $0x0  }
0x1d: {  	s5 =	simm.s32 @p1 $0x1;
	p0 =	seq.s32 s7, s2  }
0x1e: {  	s7 =	smul.u32 @!p0 $0xF7A, s2;
	p2 =	seq.s32 @!p0 s5, $0x0  }
0x1f: {  	s9 =	smul.u32 $0xF7A, s1;
	s8 =	simm.s32 @!p0 $0x1BF5;
	p2 =	por !p2, p0  }
0x20: {  	[sflag:s8] =	ssyncset.s32 @!p0 $0xFFFFF086;
	s6 =	sadd.s32 @!p0 s3, s7;
	s7 =	simm.s32 @!p0 $0x108  }
0x21: {  	s3 =	sadd.s32 s3, s9;
	s6 =	sadd.s32 @!p0 $0x88, s6;
	s7 =	simm.s32 @p2 $0x1082  }
0x22: {  	[simem:s7], [sflag:s8] =	dma.local @!p0 [hbm:s6], $0xF7A  }
0x23: {  	s9 =	sor.u32 $0xD0000000, s2;
	s6 =	simm.s32 $0x108;
	_ =	swait.ge @!p0 [sflag:s8], $0x0  }
0x24: {  	s3 =	sadd.s32 $0x88, s3;
	s6 =	simm.s32 @!p1 $0x1082;
	[sflag:s4] =	ssyncset.s32 $0xFFFFF086  }
0x25: {  	[simem:s6], [sflag:s4] =	dma.local [hbm:s3], $0xF7A  }
0x26: {  	[smem:$0x3F9C] =	sst s1;
	(tag) =	ssettag s2;
	_ =	strace s9  }
0x27: {  	s1 =	sld [smem:$0x3FAC]  }
0x28: {  	s2 =	sld [smem:$0x3FAD]  }
0x29: {  	s4 =	sld [smem:$0x3FAF]  }
0x2a: {  	p0 =	seq.s32 s5, $0x0;
	s5 =	sld [smem:$0x3FB0]  }
0x2b: {  	s6 =	sld [smem:$0x3FB1]  }
0x2c: {  	s7 =	sld [smem:$0x3FB2]  }
0x2d: {  	s3 =	simm.s32 $0x108;
	s8 =	sld [smem:$0x3FB3]  }
0x2e: {  	s3 =	simm.s32 @!p0 $0x1082;
	s9 =	sld [smem:$0x3FB4]  }
0x2f: {  	lr =	sadd.s32 s0, s3;
	s0 =	sld [smem:$0x3FAB]  }
0x30: {  	s3 =	sld [smem:$0x3FAE]  }
0x31: {  	[smem:$0x3FB7] =	sst s10  }
0x32: {  	s10 =	sld [smem:$0x3FB5];
	_ =	sdelay $0x3  }
0x33: {  	p0 =	seq.s32 s10, $0x1;
	s10 =	sld [smem:$0x3FB7];
	_ =	sdelay $0x3  }
0x34: {  	[smem:$0x3FB7] =	sst s10  }
0x35: {  	s10 =	sld [smem:$0x3FB6];
	_ =	sdelay $0x3  }
0x36: {  	p1 =	seq.s32 s10, $0x1;
	s10 =	sld [smem:$0x3FB7];
	_ =	sdelay $0x3  }
0x37: {  	[smem:$0x3FB7] =	sst s10  }
0x38: {  	s10 =	sld [smem:$0x3FB8]  }
0x39: {  	_ = 	snop;
	(pc) =	sbr.ind lr, $3  }
0x3a: {  	_ = 	snop  }
0x3b: {  	_ = 	snop  }
0x3c: {  	p2 =	seq.s32 s10, $0x1;
	s10 =	sld [smem:$0x3FB7]  }
0x3d: {  	_ =	shalt  }
0x3e: {  	_ =	shalt  }
0x3f: {  	_ =	shalt  }
0x40: {  	_ =	shalt  }
0x41: {  	_ =	shalt  }
0x42: {  	_ =	shalt  }
0x43: {  	_ =	shalt  }
0x44: {  	_ =	shalt  }
0x45: {  	_ =	shalt  }
0x46: {  	_ =	shalt  }
0x47: {  	_ =	shalt  }
0x48: {  	_ =	shalt  }
0x49: {  	_ =	shalt  }
0x4a: {  	_ =	shalt  }
0x4b: {  	_ =	shalt  }
0x4c: {  	_ =	shalt  }
0x4d: {  	_ =	shalt  }
0x4e: {  	_ =	shalt  }
0x4f: {  	_ =	shalt  }
0x50: {  	_ =	shalt  }
0x51: {  	_ =	shalt  }
0x52: {  	_ =	shalt  }
0x53: {  	_ =	shalt  }
0x54: {  	_ =	shalt  }
0x55: {  	_ =	shalt  }
0x56: {  	_ =	shalt  }
0x57: {  	_ =	shalt  }
0x58: {  	_ =	shalt  }
0x59: {  	_ =	shalt  }
0x5a: {  	_ =	shalt  }
0x5b: {  	_ =	shalt  }
0x5c: {  	_ =	shalt  }
0x5d: {  	_ =	shalt  }
0x5e: {  	_ =	shalt  }
0x5f: {  	_ =	shalt  }
0x60: {  	_ =	shalt  }
0x61: {  	_ =	shalt  }
0x62: {  	_ =	shalt  }
0x63: {  	_ =	shalt  }
0x64: {  	_ =	shalt  }
0x65: {  	_ =	shalt  }
0x66: {  	_ =	shalt  }
0x67: {  	_ =	shalt  }
0x68: {  	_ =	shalt  }
0x69: {  	_ =	shalt  }
0x6a: {  	_ =	shalt  }
0x6b: {  	_ =	shalt  }
0x6c: {  	_ =	shalt  }
0x6d: {  	_ =	shalt  }
0x6e: {  	_ =	shalt  }
0x6f: {  	_ =	shalt  }
0x70: {  	_ =	shalt  }
0x71: {  	_ =	shalt  }
0x72: {  	_ =	shalt  }
0x73: {  	_ =	shalt  }
0x74: {  	_ =	shalt  }
0x75: {  	_ =	shalt  }
0x76: {  	_ =	shalt  }
0x77: {  	_ =	shalt  }
0x78: {  	_ =	shalt  }
0x79: {  	_ =	shalt  }
0x7a: {  	_ =	shalt  }
0x7b: {  	_ =	shalt  }
0x7c: {  	_ =	shalt  }
0x7d: {  	_ =	shalt  }
0x7e: {  	_ =	shalt  }
0x7f: {  	_ =	shalt  }
0x80: {  	_ =	shalt  }
0x81: {  	_ =	shalt  }
0x82: {  	_ =	shalt  }
0x83: {  	_ =	shalt  }
0x84: {  	_ =	shalt  }
0x85: {  	_ =	shalt  }
0x86: {  	_ =	shalt  }
0x87: {  	_ =	shalt  }
.Lfunc_end0:
.L_simem_size_0:
called_computation_lowered:
.L_overlay_start_0:
0x88: {  	s0 =	sld [smem:$0x3FD9]  }
0x89: {  	s1 =	sld [smem:$0x3FFE];
	_ =	sdelay $0x3  }
0x8a: {  	s0 =	sadd.s32 s1, s0  }
0x8b: {  	[smem:$0x3FC3] =	sst s0  }
0x8c: {  	_ = 	snop  }
0x8d: {  	s0 =	sld [smem:$0x3FD0];
	_ =	sdelay $0x2  }
0x8e: {  	s13 =	simm.s32 $0xA;
	s2 =	simm.s32 $0x10  }
0x8f: {  	[smem:s2], [sflag:s13] =	dma.local [hbm:s0], $0x1  }
0x90: {  	_ =	swait.eq [sflag:s13], $0x1  }
0x91: {  	[sflag:s13] =	ssyncset.done $0x0  }
0x92: {  	[sflag:s13] =	ssyncadd.s32 $0xFFFFFFFF  }
0x93: {  	s14 =	sld [smem:$0x10];
	(tm) =	ssettm $0x1  }
0x94: {  	s15 =	sld [smem:$0x3FFB];
	_ =	sdelay $0x3  }
0x95: {  	_ =	strace s15  }
0x96: {  	s1 =	sld [smem:$0x3FFC];
	_ =	sdelay $0x3  }
0x97: {  	_ =	strace s1  }
0x98: {  	s1 =	sld [smem:$0x3FFD];
	_ =	sdelay $0x3  }
0x99: {  	_ =	strace s1  }
0x9a: {  	_ =	strace $0x8FFFFFFF  }
0x9b: {  	s16 =	sld [smem:$0x3FDB];
	_ =	sdelay $0x1  }
0x9c: {  	s17 =	simm.s32 $_scs_section_size  }
0x9d: {  	s3 =	simm.s32 $_size__tile_overlayer_lowered;
	s4 =	simm.s32 $_tile_overlayer_lowered  }
0x9e: {  	s20 =	simm.s32 $0x1BFF;
	s19 =	sshll.u32 s4, $0x1;
	s1 =	sadd.s32 s17, s16  }
0x9f: {  	s5 =	simm.s32 $0x0;
	s18 =	sshll.u32 s3, $0x1;
	s3 =	sadd.s32 s19, s1  }
0xa0: {  	[timem:s5], [sflag:s20] =	dma.local [hbm:s3], s18  }
0xa1: {  	_ =	swait.ge [sflag:s20], s18  }
0xa2: {  	s2 =	ssub.s32 $0x0, s18;
	[sflag:s20] =	ssyncset.done $0x0  }
0xa3: {  	[sflag:s20] =	ssyncadd.s32 s2;
	_ =	sdelay $0x1  }
0xa4: {  	s21 =	simm.s32 $0x1B8B  }
0xa5: {  	_ =	swait.ge [sflag:s21], $0x1  }
0xa6: {  	[sflag:s21] =	ssyncset.done $0x0  }
0xa7: {  	s23 =	simm.s32 $0x1B8E;
	s22 =	sld [smem:$0x3FFE];
	[sflag:s21] =	ssyncadd.s32 $0xFFFFFFFF  }
0xa8: {  	s24 =	simm.s32 $execute0_lowered;
	[smem:$0x3FD2] =	sst s23  }
0xa9: {  	s3 =	sshll.u32 s24, $0x1;
	_ =	strace $0x80000046;
	[dreg:$0x1] =	wrdreg $0xFFFFFFFF  }
0xaa: {  	s25 =	simm.s32 $_size_execute0_lowered;
	s1 =	sadd.s32 s1, s3;
	[dreg:$0x0] =	wrdreg $0x0  }
0xab: {  	s3 =	sshll.u32 s25, $0x1;
	[dreg:$0x2] =	wrdreg s1  }
0xac: {  	[dreg:$0x3] =	wrdreg s3  }
0xad: {  	[dreg:$0x4] =	wrdreg $0xC0  }
0xae: {  	_ =	task [dreg:s5], $0x5FFFF  }
0xaf: {  	[dreg:$0x1] =	wrdreg $0xFFFFFFFF  }
0xb0: {  	[dreg:$0x0] =	wrdreg $0x60  }
0xb1: {  	[dreg:$0x2] =	wrdreg s22  }
0xb2: {  	[dreg:$0x3] =	wrdreg s14  }
0xb3: {  	[dreg:$0x4] =	wrdreg $0x18B000  }
0xb4: {  	[dreg:$0x5] =	wrdreg $0x9  }
0xb5: {  	_ =	task.clear_ibuf [dreg:s5], $0x6FFFF;
	_ =	strace $0x90000046  }
0xb6: {  	s26 =	simm.s32 $0x9;
	_ =	strace $0x80000048  }
0xb7: {  	_ =	swait.ge [sflag:s26], $0x1  }
0xb8: {  	[sflag:s26] =	ssyncadd.s32 $0xFFFFFFFF  }
0xb9: {  	_ =	strace $0x90000048  }
0xba: {  	_ =	sfence  }
0xbb: {  	s28 =	sld [smem:$0x0];
	_ =	sdelay $0x1  }
0xbc: {  	s29 =	srdreg.scid  }
0xbd: {  	s30 =	sshll.u32 s29, $0xD;
	s31 =	sshrl.u32 s29, $0x2  }
0xbe: {  	s2 =	sand.u32 $0x4000, s30;
	s1 =	sand.u32 $0x1, s29;
	s0 =	sadd.s32 s31, s28  }
0xbf: {  	s1 =	sor.u32 s2, s1;
	s0 =	sshll.u32 s0, $0x11  }
0xc0: {  	s0 =	sor.u32 s0, s1  }
0xc1: {  	s0 =	sadd.s32 $0x8F2B, s0  }
0xc2: {  	[sflag:s0] =	ssyncadd.remote.s32 $0x1  }
0xc3: {  	_ =	sfence.sel $0xFFFF  }
0xc4: {  	[dreg:$0x0] =	wrdreg $0xFFFFFFFF;
	(pc) =	sbr.abs _section_cstart, $3  }
0xc5: {  	[dreg:$0x1] =	wrdreg $0xFFFFFFFF  }
0xc6: {  	_ =	task.clear_ibuf [dreg:s5], $0x2FFFF;
	_ =	strace $0x9FFFFFFF  }
0xc7: {  	(tm) =	ssettm $0x7FFFFFFF  }
tec
execute0_lowered:
.L_overlay_start_1:
0x0: {  	(tag) =	ssettag $0x1  }
0x1: {  	s4 =	rddreg [dreg:$0x0]  }
0x2: {  	s0 =	stileid.u32;
	s7 =	rddreg [dreg:$0x1]  }
0x3: {  	s2 =	rddreg [dreg:$0x2];
	s6 =	sshrl.u32 s0, $0x3;
	s1 =	sshll.u32 s0, $0x7  }
0x4: {  	s5 =	simm.s32 $0x0;
	s8 =	sand.u32 $0x380, s1;
	s24 =	sshll.u32 s6, $0xF  }
0x5: {  	s10 =	simm.s32 $0x80;
	s11 =	simm.s32 $0x400;
	s3 =	sor.u32 s8, s24  }
0x6: {  	s12 =	simm.s32 $0x8000;
	[smem:$0x7FF] =	sst s5;
	s3 =	sshrl.u32 s3, $0x3  }
0x7: {  	s26 =	simm.s32 $0x2;
	s1 =	rddreg [dreg:$0x3];
	s3 =	sadd.s32 s3, s4  }
0x8: {  	_ =	strace $0x80000047;
	s9 =	smul.u32 $0x3E800, s6;
	s3 =	sadd.s32 $0x200, s3  }
0x9: {  	[tilespmem:s12], [sflag:$0x2] =	stream.strided.gather [hbm4b:s3+s10], $0x1000, s11, s10, $0x38;
	[tilespmem:$0x18B20] =	vst v63  }
0xa: {  	s25 =	sor.u32 s8, s9;
	_ =	swait.ge [sflag:s26], $0x1000  }
0xb: {  	s28 =	simm.s32 $0x9000;
	s3 =	sshrl.u32 s25, $0x3;
	[sflag:s26] =	ssyncset.done $0x0  }
0xc: {  	s6 =	sshll.u32 s6, $0xA;
	s7 =	sadd.s32 s7, s3;
	[sflag:s26] =	ssyncadd.s32 $0xFFFFF000  }
0xd: {  	[tilespmem:s28], [sflag:$0x2] =	stream.strided.gather [hbm4b:s7+s10], $0x7D00, s11, s10, $0x38;
	[tilespmem:$0x18B20] =	vst v63  }
0xe: {  	s6 =	sor.u32 s8, s6;
	_ =	swait.ge [sflag:s26], $0x7D00  }
0xf: {  	s6 =	sshrl.u32 s6, $0x3;
	[sflag:s26] =	ssyncset.done $0x0  }
0x10: {  	s29 =	simm.s32 $0x18A00;
	s6 =	sadd.s32 s4, s6;
	[sflag:s26] =	ssyncadd.s32 $0xFFFF8300  }
0x11: {  	[tilespmem:s29], [sflag:$0x2] =	stream.linear.gather [hbm4b:s6+s5], $0x80, $0x38;
	[tilespmem:$0x18B20] =	vst v63  }
0x12: {  	_ =	swait.ge [sflag:s26], $0x80  }
0x13: {  	[sflag:s26] =	ssyncset.done $0x0  }
0x14: {  	s30 =	sadd.s32 $0x2200, s4;
	[sflag:s26] =	ssyncadd.s32 $0xFFFFFF80  }
0x15: {  	[tilespmem:s5], [sflag:$0x2] =	stream.linear.gather [hbm4b:s30+s5], $0x8000, $0x38;
	[tilespmem:$0x18B20] =	vst v63  }
0x16: {  	_ =	swait.ge [sflag:s26], $0x8000  }
0x17: {  	[sflag:s26] =	ssyncset.done $0x0  }
0x18: {  	[sflag:s26] =	ssyncadd.s32 $0xFFFF8000  }
0x19: {  	s31 =	simm.s32 $0x8080;
	v0 =	vld [tilespmem:$0x18A00]  }
0x1a: {  	v5 =	vld [tilespmem:s31+$0xFFFFFF80]  }
0x1b: {  	v1 =	vld [tilespmem:$0x18A10]  }
0x1c: {  	v6 =	vld [tilespmem:s31+$0xFFFFFF90]  }
0x1d: {  	v3 =	vld [tilespmem:$0x18A20]  }
0x1e: {  	v7 =	vld [tilespmem:s31+$0xFFFFFFA0]  }
0x1f: {  	v4 =	vld [tilespmem:$0x18A30]  }
0x20: {  	v9 =	vld [tilespmem:s31+$0xFFFFFFB0];
	v8 =	vand.u32 $0x7FFF, v5  }
0x21: {  	v2 =	vld [tilespmem:$0x18A40]  }
0x22: {  	v14 =	vld [tilespmem:s31+$0xFFFFFFC0];
	v10 =	vand.u32 $0x7FFF, v6  }
0x23: {  	v16 =	vld [tilespmem:s31+$0xFFFFFFE0]  }
0x24: {  	v15 =	vld [tilespmem:s31+$0xFFFFFFD0];
	v11 =	vand.u32 $0x7FFF, v7  }
0x25: {  	v8 =	vld.idx.msk [tilespmem:v8+s5+$0x0], $0xffff  }
0x26: {  	v18 =	vld [tilespmem:s31+$0xFFFFFFF0];
	v12 =	vand.u32 $0x7FFF, v9  }
0x27: {  	v17 =	vand.u32 $0x7FFF, v14;
	v10 =	vld.idx.msk [tilespmem:v10+s5+$0x0], $0xffff  }
0x28: {  	v20 =	vld [tilespmem:s31+$0x0];
	v21 =	vand.u32 $0x7FFF, v16  }
0x29: {  	v5 =	vand.u32 $0xFFFF0000, v5;
	v11 =	vld.idx.msk [tilespmem:v11+s5+$0x0], $0xffff  }
0x2a: {  	v13 =	vld [tilespmem:s31+$0x10];
	v19 =	vand.u32 $0x7FFF, v15;
	v5 =	vmul.f32 v5, v8  }
0x2b: {  	v6 =	vand.u32 $0xFFFF0000, v6;
	v8 =	vld.idx.msk [tilespmem:v12+s5+$0x0], $0xffff  }
0x2c: {  	v6 =	vmul.f32 v6, v10;
	v10 =	vld.idx.msk [tilespmem:v17+s5+$0x0], $0xffff;
	v17 =	vand.u32 $0x7FFF, v18;
	v5 =	vadd.f32 $0.0e+00, v5  }
0x2d: {  	v7 =	vand.u32 $0xFFFF0000, v7;
	v21 =	vld.idx.msk [tilespmem:v21+s5+$0x0], $0xffff  }
0x2e: {  	v12 =	vld [tilespmem:s31+$0x20];
	v5 =	vadd.f32 v6, v5;
	v6 =	vmul.f32 v7, v11  }
0x2f: {  	v9 =	vand.u32 $0xFFFF0000, v9;
	v7 =	vld.idx.msk [tilespmem:v19+s5+$0x0], $0xffff;
	v19 =	vand.u32 $0x7FFF, v20  }
0x30: {  	v11 =	vld [tilespmem:s31+$0x30];
	v5 =	vadd.f32 v6, v5;
	v6 =	vmul.f32 v9, v8  }
0x31: {  	v17 =	vld.idx.msk [tilespmem:v17+s5+$0x0], $0xffff;
	v9 =	vand.u32 $0xFFFF0000, v14;
	v14 =	vand.u32 $0x7FFF, v13  }
0x32: {  	v8 =	vld [tilespmem:s31+$0x40];
	v5 =	vadd.f32 v6, v5;
	v6 =	vmul.f32 v9, v10  }
0x33: {  	v10 =	vand.u32 $0xFFFF0000, v15;
	v15 =	vand.u32 $0x7FFF, v12;
	v9 =	vld [tilespmem:s31+$0x50]  }
0x34: {  	v22 =	vld.idx.msk [tilespmem:v19+s5+$0x0], $0xffff;
	v5 =	vadd.f32 v6, v5;
	v6 =	vmul.f32 v10, v7  }
0x35: {  	v10 =	vand.u32 $0xFFFF0000, v16;
	v16 =	vand.u32 $0x7FFF, v11;
	v7 =	vld [tilespmem:s31+$0x60]  }
0x36: {  	v18 =	vand.u32 $0xFFFF0000, v18;
	v19 =	vmul.f32 v10, v21;
	v14 =	vld.idx.msk [tilespmem:v14+s5+$0x0], $0xffff;
	v6 =	vadd.f32 v6, v5  }
0x37: {  	v23 =	vmul.f32 v18, v17;
	v10 =	vld [tilespmem:s31+$0x70];
	v17 =	vand.u32 $0x7FFF, v8  }
0x38: {  	s8 =	simm.s32 $0x8180;
	v15 =	vld.idx.msk [tilespmem:v15+s5+$0x0], $0xffff;
	v21 =	vadd.f32 v19, v6  }
0x39: {  	s9 =	simm.s32 $0x2;
	v24 =	vand.u32 $0xFFFF0000, v20;
	v5 =	vimm.f32 $0.0e+00;
	v18 =	vand.u32 $0x7FFF, v9;
	v19 =	vld [tilespmem:s8+$0xFFFFFF80]  }
0x3a: {  	s4 =	sadd.s32 $0x3200, s4;
	s7 =	simm.s32 $0x0;
	s6 =	simm.s32 $0x1;
	v6 =	vlaneseq.u32;
	v16 =	vld.idx.msk [tilespmem:v16+s5+$0x0], $0xffff;
	v20 =	vadd.f32 v23, v21;
	v21 =	vmul.f32 v24, v22  }
.LBB2_1:
0x3b: {  	p0 =	sne.s32 s9, $0xF;
	v22 =	vld [tilespmem:s8+$0xFFFFFF90];
	v13 =	vand.u32 $0xFFFF0000, v13;
	v23 =	vand.u32 $0x7FFF, v7  }
0x3c: {  	v20 =	vadd.f32 v21, v20;
	v13 =	vmul.f32 v13, v14;
	v14 =	vld.idx.msk [tilespmem:v17+s5+$0x0], $0xffff  }
0x3d: {  	v12 =	vand.u32 $0xFFFF0000, v12;
	v21 =	vand.u32 $0x7FFF, v10;
	v17 =	vld [tilespmem:s8+$0xFFFFFFA0]  }
0x3e: {  	v12 =	vmul.f32 v12, v15;
	v13 =	vadd.f32 v13, v20;
	v15 =	vld.idx.msk [tilespmem:v18+s5+$0x0], $0xffff  }
0x3f: {  	v11 =	vand.u32 $0xFFFF0000, v11;
	v18 =	vand.u32 $0x7FFF, v19;
	v20 =	vld [tilespmem:s8+$0xFFFFFFB0]  }
0x40: {  	v11 =	vmul.f32 v11, v16;
	v12 =	vadd.f32 v12, v13;
	v13 =	vld.idx.msk [tilespmem:v23+s5+$0x0], $0xffff  }
0x41: {  	v8 =	vand.u32 $0xFFFF0000, v8;
	v16 =	vand.u32 $0x7FFF, v22;
	v23 =	vld [tilespmem:s8+$0xFFFFFFC0]  }
0x42: {  	v8 =	vmul.f32 v8, v14;
	v11 =	vadd.f32 v11, v12;
	v12 =	vld.idx.msk [tilespmem:v21+s5+$0x0], $0xffff  }
0x43: {  	v9 =	vand.u32 $0xFFFF0000, v9;
	v14 =	vand.u32 $0x7FFF, v17;
	v21 =	vld [tilespmem:s8+$0xFFFFFFD0]  }
0x44: {  	v9 =	vmul.f32 v9, v15;
	v18 =	vld.idx.msk [tilespmem:v18+s5+$0x0], $0xffff;
	v8 =	vadd.f32 v8, v11  }
0x45: {  	v7 =	vand.u32 $0xFFFF0000, v7;
	v11 =	vand.u32 $0x7FFF, v20;
	v15 =	vld [tilespmem:s8+$0xFFFFFFE0]  }
0x46: {  	v7 =	vmul.f32 v7, v13;
	v16 =	vld.idx.msk [tilespmem:v16+s5+$0x0], $0xffff;
	v8 =	vadd.f32 v9, v8  }
0x47: {  	v10 =	vand.u32 $0xFFFF0000, v10;
	v9 =	vand.u32 $0x7FFF, v23;
	v24 =	vld [tilespmem:s8+$0xFFFFFFF0]  }
0x48: {  	v14 =	vld.idx.msk [tilespmem:v14+s5+$0x0], $0xffff;
	v7 =	vadd.f32 v7, v8;
	v8 =	vmul.f32 v10, v12  }
0x49: {  	v10 =	vand.u32 $0xFFFF0000, v19;
	v19 =	vand.u32 $0x7FFF, v21;
	v25 =	vld [tilespmem:s8+$0x0]  }
0x4a: {  	v10 =	vmul.f32 v10, v18;
	v18 =	vld.idx.msk [tilespmem:v11+s5+$0x0], $0xffff;
	v7 =	vadd.f32 v8, v7  }
0x4b: {  	v8 =	vand.u32 $0xFFFF0000, v22;
	v22 =	vand.u32 $0x7FFF, v15;
	v13 =	vld [tilespmem:s8+$0x10]  }
0x4c: {  	v10 =	vadd.f32 $0.0e+00, v10;
	v8 =	vmul.f32 v8, v16;
	v9 =	vld.idx.msk [tilespmem:v9+s5+$0x0], $0xffff;
	(xrf2) =	vadd.scan.msk.f32 $0xffff, v7  }
0x4d: {  	v7 =	vand.u32 $0xFFFF0000, v17;
	v16 =	vand.u32 $0x7FFF, v24;
	v12 =	vld [tilespmem:s8+$0x20]  }
0x4e: {  	v8 =	vadd.f32 v8, v10;
	v7 =	vmul.f32 v7, v14;
	v10 =	vld.idx.msk [tilespmem:v19+s5+$0x0], $0xffff  }
0x4f: {  	v14 =	vand.u32 $0xFFFF0000, v20;
	v17 =	vand.u32 $0x7FFF, v25;
	v11 =	vld [tilespmem:s8+$0x30]  }
0x50: {  	v7 =	vadd.f32 v7, v8;
	v14 =	vmul.f32 v14, v18;
	v18 =	vld.idx.msk [tilespmem:v22+s5+$0x0], $0xffff  }
0x51: {  	v19 =	vand.u32 $0xFFFF0000, v23;
	v20 =	vand.u32 $0x7FFF, v13;
	v8 =	vld [tilespmem:s8+$0x40]  }
0x52: {  	v7 =	vadd.f32 v14, v7;
	v14 =	vmul.f32 v19, v9;
	v16 =	vld.idx.msk [tilespmem:v16+s5+$0x0], $0xffff  }
0x53: {  	v19 =	vand.u32 $0xFFFF0000, v21;
	v21 =	vand.u32 $0x7FFF, v12;
	v9 =	vld [tilespmem:s8+$0x50]  }
0x54: {  	v14 =	vadd.f32 v14, v7;
	v10 =	vmul.f32 v19, v10;
	v22 =	vld.idx.msk [tilespmem:v17+s5+$0x0], $0xffff  }
0x55: {  	v15 =	vand.u32 $0xFFFF0000, v15;
	v23 =	vand.u32 $0x7FFF, v11;
	v7 =	vld [tilespmem:s8+$0x60]  }
.Ltmp0:
0x56: {  	v19 =	vadd.f32 v10, v14;
	v15 =	vmul.f32 v15, v18;
	v18 =	vmov s7;
	s7 =	smov.u32 s6;
	s6 =	smov.u32 s9;
	v14 =	vld.idx.msk [tilespmem:v20+s5+$0x0], $0xffff;
	v20, _, _ =	vpop (xrf2);
	(pc) =	sbr.rel @p0 .LBB2_1-.Ltmp0, $4  }
0x57: {  	v24 =	vand.u32 $0xFFFF0000, v24;
	v17 =	vand.u32 $0x7FFF, v8;
	v10 =	vld [tilespmem:s8+$0x70];
	v20 =	vbroadcast v20, $0xF  }
0x58: {  	vm0 =	veq.s32 v18, v6;
	v26 =	vadd.f32 v15, v19;
	v16 =	vmul.f32 v24, v16;
	s8 =	sadd.s32 $0x100, s8;
	v15 =	vld.idx.msk [tilespmem:v21+s5+$0x0], $0xffff  }
0x59: {  	v21 =	vand.u32 $0xFFFF0000, v25;
	v18 =	vand.u32 $0x7FFF, v9;
	v19 =	vld [tilespmem:s8+$0xFFFFFF80];
	v5 =	vsel vm0, v20, v5  }
0x5a: {  	s9 =	sadd.s32 $0x1, s9;
	v20 =	vadd.f32 v16, v26;
	v21 =	vmul.f32 v21, v22;
	v16 =	vld.idx.msk [tilespmem:v23+s5+$0x0], $0xffff  }
0x5b: {  	v22 =	vld [tilespmem:s8+$0xFFFFFF90];
	_ =	sdelay $0x1  }
0x5c: {  	v23 =	vld [tilespmem:s8+$0xFFFFFFA0]  }
0x5d: {  	v24 =	vand.u32 $0x7FFF, v19  }
0x5e: {  	v25 =	vld [tilespmem:s8+$0xFFFFFFB0]  }
0x5f: {  	v26 =	vand.u32 $0x7FFF, v22  }
0x60: {  	v27 =	vld [tilespmem:s8+$0xFFFFFFC0]  }
0x61: {  	v29 =	vld [tilespmem:s8+$0xFFFFFFD0];
	v28 =	vand.u32 $0x7FFF, v23  }
0x62: {  	v24 =	vld.idx.msk [tilespmem:v24+s5+$0x0], $0xffff  }
0x63: {  	v31 =	vld [tilespmem:s8+$0xFFFFFFE0];
	v30 =	vand.u32 $0x7FFF, v25  }
0x64: {  	v26 =	vld.idx.msk [tilespmem:v26+s5+$0x0], $0xffff  }
0x65: {  	v33 =	vld [tilespmem:s8+$0xFFFFFFF0];
	v32 =	vand.u32 $0x7FFF, v27  }
0x66: {  	v61 =	vand.u32 $0xFFFF0000, v19;
	v28 =	vld.idx.msk [tilespmem:v28+s5+$0x0], $0xffff  }
0x67: {  	v62 =	vld [tilespmem:s8+$0x0];
	v34 =	vand.u32 $0x7FFF, v29;
	v19 =	vmul.f32 v61, v24  }
0x68: {  	v22 =	vand.u32 $0xFFFF0000, v22;
	v30 =	vld.idx.msk [tilespmem:v30+s5+$0x0], $0xffff  }
0x69: {  	v36 =	vld [tilespmem:s8+$0x10];
	v63 =	vand.u32 $0x7FFF, v31;
	v22 =	vmul.f32 v22, v26;
	v19 =	vadd.f32 $0.0e+00, v19  }
0x6a: {  	v23 =	vand.u32 $0xFFFF0000, v23;
	v32 =	vld.idx.msk [tilespmem:v32+s5+$0x0], $0xffff  }
0x6b: {  	v38 =	vld [tilespmem:s8+$0x20];
	v37 =	vand.u32 $0x7FFF, v33;
	v23 =	vmul.f32 v23, v28;
	v19 =	vadd.f32 v22, v19  }
0x6c: {  	v25 =	vand.u32 $0xFFFF0000, v25;
	v34 =	vld.idx.msk [tilespmem:v34+s5+$0x0], $0xffff  }
0x6d: {  	v40 =	vld [tilespmem:s8+$0x30];
	v39 =	vand.u32 $0x7FFF, v62;
	v25 =	vmul.f32 v25, v30;
	v19 =	vadd.f32 v23, v19  }
0x6e: {  	v27 =	vand.u32 $0xFFFF0000, v27;
	v26 =	vld.idx.msk [tilespmem:v63+s5+$0x0], $0xffff  }
0x6f: {  	v43 =	vld [tilespmem:s8+$0x40];
	v41 =	vand.u32 $0x7FFF, v36;
	v27 =	vmul.f32 v27, v32;
	v19 =	vadd.f32 v25, v19  }
0x70: {  	v13 =	vand.u32 $0xFFFF0000, v13;
	v52 =	vand.u32 $0x7FFF, v7;
	v29 =	vand.u32 $0xFFFF0000, v29;
	v28 =	vld.idx.msk [tilespmem:v37+s5+$0x0], $0xffff  }
0x71: {  	v45 =	vld [tilespmem:s8+$0x50];
	v44 =	vand.u32 $0x7FFF, v38;
	v42 =	vmul.f32 v29, v34;
	v19 =	vadd.f32 v27, v19  }
0x72: {  	v12 =	vand.u32 $0xFFFF0000, v12;
	v11 =	vand.u32 $0xFFFF0000, v11;
	v31 =	vand.u32 $0xFFFF0000, v31;
	v30 =	vld.idx.msk [tilespmem:v39+s5+$0x0], $0xffff  }
0x73: {  	v47 =	vld [tilespmem:s8+$0x60];
	v46 =	vand.u32 $0x7FFF, v40;
	v26 =	vmul.f32 v31, v26;
	v19 =	vadd.f32 v42, v19  }
0x74: {  	v8 =	vand.u32 $0xFFFF0000, v8;
	v20 =	vadd.f32 v21, v20;
	v33 =	vand.u32 $0xFFFF0000, v33;
	v32 =	vld.idx.msk [tilespmem:v41+s5+$0x0], $0xffff  }
0x75: {  	v49 =	vld [tilespmem:s8+$0x70];
	v48 =	vand.u32 $0x7FFF, v43;
	v28 =	vmul.f32 v33, v28;
	v19 =	vadd.f32 v26, v19  }
0x76: {  	v13 =	vmul.f32 v13, v14;
	v54 =	vand.u32 $0x7FFF, v10;
	v50 =	vld.idx.msk [tilespmem:v44+s5+$0x0], $0xffff;
	v24 =	vand.u32 $0xFFFF0000, v62  }
0x77: {  	v17 =	vld.idx.msk [tilespmem:v17+s5+$0x0], $0xffff;
	v51 =	vand.u32 $0x7FFF, v45;
	v24 =	vmul.f32 v24, v30;
	v19 =	vadd.f32 v28, v19  }
0x78: {  	v12 =	vmul.f32 v12, v15;
	v13 =	vadd.f32 v13, v20;
	v22 =	vand.u32 $0xFFFF0000, v36;
	v26 =	vld.idx.msk [tilespmem:v46+s5+$0x0], $0xffff  }
0x79: {  	v18 =	vld.idx.msk [tilespmem:v18+s5+$0x0], $0xffff;
	v53 =	vand.u32 $0x7FFF, v47;
	v22 =	vmul.f32 v22, v32;
	v19 =	vadd.f32 v24, v19  }
0x7a: {  	v11 =	vmul.f32 v11, v16;
	v12 =	vadd.f32 v12, v13;
	v55 =	vld.idx.msk [tilespmem:v48+s5+$0x0], $0xffff;
	v23 =	vand.u32 $0xFFFF0000, v38  }
0x7b: {  	v56 =	vand.u32 $0x7FFF, v49;
	v59 =	vld.idx.msk [tilespmem:v52+s5+$0x0], $0xffff;
	v14 =	vmul.f32 v23, v50;
	v19 =	vadd.f32 v22, v19  }
0x7c: {  	v58 =	vand.u32 $0xFFFF0000, v40;
	v8 =	vmul.f32 v8, v17;
	v11 =	vadd.f32 v11, v12;
	v57 =	vld.idx.msk [tilespmem:v51+s5+$0x0], $0xffff  }
0x7d: {  	v9 =	vand.u32 $0xFFFF0000, v9;
	v62 =	vld.idx.msk [tilespmem:v54+s5+$0x0], $0xffff;
	v16 =	vmul.f32 v58, v26;
	v14 =	vadd.f32 v14, v19  }
0x7e: {  	v9 =	vmul.f32 v9, v18;
	v8 =	vadd.f32 v8, v11;
	v60 =	vld.idx.msk [tilespmem:v53+s5+$0x0], $0xffff;
	v61 =	vand.u32 $0xFFFF0000, v43  }
0x7f: {  	v7 =	vand.u32 $0xFFFF0000, v7;
	v15 =	vmul.f32 v61, v55;
	v14 =	vadd.f32 v16, v14  }
0x80: {  	v11 =	vld.idx.msk [tilespmem:v56+s5+$0x0], $0xffff;
	v7 =	vmul.f32 v7, v59;
	v8 =	vadd.f32 v9, v8;
	v63 =	vand.u32 $0xFFFF0000, v45  }
0x81: {  	v10 =	vand.u32 $0xFFFF0000, v10;
	v13 =	vmul.f32 v63, v57;
	v14 =	vadd.f32 v15, v14  }
0x82: {  	v9 =	vand.u32 $0xFFFF0000, v47;
	v7 =	vadd.f32 v7, v8;
	v8 =	vmul.f32 v10, v62  }
0x83: {  	v9 =	vmul.f32 v9, v60;
	v13 =	vadd.f32 v13, v14  }
0x84: {  	v10 =	vand.u32 $0xFFFF0000, v49;
	v7 =	vadd.f32 v8, v7  }
0x85: {  	v10 =	vmul.f32 v10, v11;
	v9 =	vadd.f32 v9, v13  }
0x86: {  	(xrf2) =	vadd.scan.msk.f32 $0xffff, v7  }
0x87: {  	v8 =	vadd.f32 v10, v9;
	_ =	sdelay $0x1  }
0x88: {  	(xrf2) =	vadd.scan.msk.f32 $0xffff, v8;
	_ =	sdelay $0x2  }
0x89: {  	v7 =	vimm.f32 $1.000000000e+01  }
0x8a: {  	(erf) = vrcp.f32 v7;
	_ =	sdelay $0x2  }
0x8b: {  	v7, _, _ =	vpop (xrf2)  }
0x8c: {  	v7 =	vbroadcast v7, $0xF;
	v8 =	vmov s7  }
0x8d: {  	s29 =	sshll.u32 s0, $0x5;
	vm0 =	veq.s32 v8, v6  }
0x8e: {  	s30 =	sshll.u32 s0, $0x4;
	s8 =	simm.s32 $0x1;
	s9 =	simm.s32 $0x80;
	v5 =	vsel vm0, v7, v5;
	v9, _, _ =	vpop (xrf2)  }
0x8f: {  	s10 =	simm.s32 $0x100;
	s11 =	simm.s32 $0x2;
	s5 =	sand.u32 $0x100, s29;
	v8 =	vmov s6;
	v9 =	vbroadcast v9, $0xF  }
0x90: {  	s12 =	simm.s32 $0x0;
	s31 =	sand.u32 $0x70, s30;
	s5 =	sadd.s32 s5, s2;
	vm15 =	veq.s32 v8, v6  }
0x91: {  	s5 =	sadd.s32 s31, s5;
	s7 =	simm.s32 $0x18A80;
	s6 =	simm.s32 $0x0;
	v6 =	vlaneseq.u32;
	v10 =	vsel vm15, v9, v5;
	v5 =	vpop (erf)  }
.LBB2_3:
0x92: {  	v7 =	vmul.f32 v4, v4;
	_ =	sdelay $0x1  }
0x93: {  	v8 =	vadd.f32 v3, v3;
	v9 =	vmul.f32 v3, v1;
	v7 =	vadd.f32 v7, v0  }
0x94: {  	v10 =	vmul.f32 v10, v2  }
0x95: {  	v11 =	vmul.f32 $3.141592600e+01, v3;
	v8 =	vmul.f32 v4, v8;
	v7 =	vadd.f32 v7, v9;
	_ =	sdelay $0x1  }
0x96: {  	v8 =	vadd.f32 $2.228169140e-02, v8;
	v9 =	vmul.f32 v11, v11;
	v7 =	vadd.f32 v7, v10;
	_ =	sdelay $0x1  }
0x97: {  	s13 =	sshll.u32 s12, $0x5;
	v11 =	vmul.f32 v8, v5;
	v7 =	vsub.f32 v7, v9  }
0x98: {  	v12 =	vld [tilespmem:s13+$0x9000]  }
0x99: {  	v9 =	vmul.f32 $1.000000010e-01, v11;
	v8 =	vmul.f32 v7, v5  }
0x9a: {  	v7 =	vld [tilespmem:s13+$0x9010]  }
0x9b: {  	v9 =	vadd.f32 v9, v3;
	v10 =	vmul.f32 $1.000000010e-01, v8;
	_ =	sdelay $0x1  }
0x9c: {  	v9 =	vadd.f32 v12, v9;
	v10 =	vadd.f32 v10, v4;
	_ =	sdelay $0x1  }
0x9d: {  	v9 =	vmax.f32 v9, $0.0e+00;
	v10 =	vadd.f32 v7, v10  }
0x9e: {  	v9 =	vmin.f32 v9, $1.000000000e+01  }
0x9f: {  	v13 =	vadd.f32 v9, v9;
	v10 =	vmax.f32 v10, $-6.000000000e+01  }
0xa0: {  	v10 =	vmin.f32 v10, $6.000000000e+01  }
0xa1: {  	v13 =	vmul.f32 v10, v13;
	_ =	sdelay $0x1  }
0xa2: {  	v13 =	vadd.f32 $2.228169140e-02, v13;
	_ =	sdelay $0x1  }
0xa3: {  	v13 =	vmul.f32 v13, v5;
	_ =	sdelay $0x1  }
0xa4: {  	v11 =	vadd.f32 v13, v11;
	_ =	sdelay $0x1  }
0xa5: {  	v11 =	vmul.f32 $5.000000070e-02, v11;
	_ =	sdelay $0x1  }
0xa6: {  	v3 =	vadd.f32 v11, v3;
	_ =	sdelay $0x1  }
0xa7: {  	v3 =	vadd.f32 v3, v12  }
0xa8: {  	s12 =	sadd.s32 $0x1, s12  }
0xa9: {  	s14 =	sshll.u32 s12, $0x7;
	v3 =	vmax.f32 v3, $0.0e+00  }
0xaa: {  	s14 =	sand.u32 $0x80, s14;
	v3 =	vmin.f32 v3, $1.000000000e+01  }
0xab: {  	s16 =	simm.s32 $0x8080;
	s15 =	sadd.s32 s14, s5;
	[tilespmem:$0x18A80] =	vst v3  }
0xac: {  	[spmem:s15] =	stream.linear.scatter [tilespmem:s7], [sflag:$0x1], $0x10, $0x38;
	[tilespmem:$0x18B20] =	vst v63  }
0xad: {  	v12 =	vld [tilespmem:s16+$0x50]  }
0xae: {  	v13 =	vld [tilespmem:s16+$0x40]  }
0xaf: {  	v15 =	vld [tilespmem:s16+$0xFFFFFF80]  }
0xb0: {  	v24 =	vld [tilespmem:s16+$0x30]  }
0xb1: {  	v16 =	vld [tilespmem:s16+$0xFFFFFF90]  }
0xb2: {  	v17 =	vld [tilespmem:s16+$0xFFFFFFA0]  }
0xb3: {  	s15 =	sshll.u32 s12, $0x8;
	v22 =	vld [tilespmem:s16+$0x20]  }
0xb4: {  	v14 =	vmov s15;
	v19 =	vld [tilespmem:s16+$0xFFFFFFB0]  }
0xb5: {  	v23 =	vld [tilespmem:s16+$0x10];
	v18 =	vadd.s32 v14, v15;
	v21 =	vand.u32 $0x7F, v15  }
0xb6: {  	v29 =	vld [tilespmem:s16+$0x0];
	v27 =	vadd.s32 v14, v16;
	v30 =	vand.u32 $0x7F, v16;
	v18 =	vand.u32 $0x7F80, v18  }
0xb7: {  	v33 =	vld [tilespmem:s16+$0xFFFFFFF0];
	v32 =	vadd.s32 v14, v17;
	v27 =	vand.u32 $0x7F80, v27;
	v18 =	vor.u32 v21, v18  }
0xb8: {  	v47 =	vld [tilespmem:s16+$0xFFFFFFE0];
	v34 =	vand.u32 $0x7F, v17;
	v32 =	vand.u32 $0x7F80, v32;
	v27 =	vor.u32 v30, v27  }
0xb9: {  	v21 =	vld [tilespmem:s16+$0xFFFFFFC0];
	v32 =	vor.u32 v34, v32  }
0xba: {  	v26 =	vand.u32 $0x7F, v24;
	v28 =	vand.u32 $0x7F, v13;
	v31 =	vand.u32 $0x7F, v12  }
0xbb: {  	v35 =	vadd.s32 v14, v19;
	v36 =	vand.u32 $0x7F, v19;
	v37 =	vand.u32 $0x7F, v22;
	v30 =	vld [tilespmem:s16+$0xFFFFFFD0]  }
0xbc: {  	v38 =	vand.u32 $0x7F, v23;
	v40 =	vand.u32 $0x7F, v29;
	v42 =	vand.u32 $0x7F, v33;
	v18 =	vld.idx.msk [tilespmem:v18+s6+$0x0], $0xffff  }
0xbd: {  	v15 =	vand.u32 $0xFFFF0000, v15;
	v50 =	vadd.s32 v14, v47;
	v35 =	vand.u32 $0x7F80, v35;
	v27 =	vld.idx.msk [tilespmem:v27+s6+$0x0], $0xffff  }
0xbe: {  	v51 =	vand.u32 $0x7F, v47;
	v35 =	vor.u32 v36, v35;
	v48 =	vadd.s32 v14, v21;
	v32 =	vld.idx.msk [tilespmem:v32+s6+$0x0], $0xffff  }
0xbf: {  	v16 =	vand.u32 $0xFFFF0000, v16;
	v39 =	vand.u32 $0x7F, v21;
	v36 =	vand.u32 $0x7F80, v48  }
0xc0: {  	v52 =	vadd.s32 v14, v33;
	v49 =	vadd.s32 v14, v30;
	v36 =	vor.u32 v39, v36  }
0xc1: {  	v17 =	vand.u32 $0xFFFF0000, v17;
	v41 =	vand.u32 $0x7F, v30;
	v39 =	vand.u32 $0x7F80, v49  }
0xc2: {  	v54 =	vadd.s32 v14, v23;
	v39 =	vor.u32 v41, v39;
	v15 =	vmul.f32 v15, v18  }
0xc3: {  	v35 =	vld.idx.msk [tilespmem:v35+s6+$0x0], $0xffff;
	v18 =	vand.u32 $0x7F80, v50;
	v16 =	vmul.f32 v16, v27;
	v17 =	vmul.f32 v17, v32  }
0xc4: {  	v32 =	vand.u32 $0x7F80, v54;
	v18 =	vor.u32 v51, v18;
	v15 =	vadd.f32 $0.0e+00, v15  }
0xc5: {  	v53 =	vadd.s32 v14, v29;
	v27 =	vand.u32 $0x7F80, v52;
	v32 =	vor.u32 v38, v32;
	v36 =	vld.idx.msk [tilespmem:v36+s6+$0x0], $0xffff  }
0xc6: {  	v20 =	vld [tilespmem:s16+$0x70];
	v57 =	vadd.s32 v14, v13;
	v27 =	vor.u32 v42, v27;
	v16 =	vadd.f32 v16, v15  }
0xc7: {  	v19 =	vand.u32 $0xFFFF0000, v19;
	v58 =	vand.u32 $0x7F80, v57;
	v39 =	vld.idx.msk [tilespmem:v39+s6+$0x0], $0xffff;
	v15 =	vand.u32 $0x7F80, v53  }
0xc8: {  	v40 =	vor.u32 v40, v15;
	v15 =	vld [tilespmem:s16+$0x60];
	v16 =	vadd.f32 v17, v16;
	v17 =	vmul.f32 v19, v35  }
0xc9: {  	v55 =	vadd.s32 v14, v24;
	v28 =	vor.u32 v28, v58;
	v21 =	vand.u32 $0xFFFF0000, v21;
	v18 =	vld.idx.msk [tilespmem:v18+s6+$0x0], $0xffff  }
0xca: {  	v19 =	vadd.s32 v14, v22;
	v32 =	vld.idx.msk [tilespmem:v32+s6+$0x0], $0xffff;
	v21 =	vmul.f32 v21, v36;
	v17 =	vadd.f32 v17, v16  }
0xcb: {  	s18 =	simm.s32 $0x8180;
	v30 =	vand.u32 $0xFFFF0000, v30;
	v27 =	vld.idx.msk [tilespmem:v27+s6+$0x0], $0xffff;
	v35 =	vand.u32 $0x7F80, v55;
	v19 =	vand.u32 $0x7F80, v19  }
0xcc: {  	v16 =	vld [tilespmem:s18+$0x70];
	v19 =	vor.u32 v37, v19;
	v30 =	vmul.f32 v30, v39;
	v21 =	vadd.f32 v21, v17  }
0xcd: {  	v33 =	vand.u32 $0xFFFF0000, v33;
	v34 =	vand.u32 $0xFFFF0000, v47;
	v26 =	vor.u32 v26, v35;
	v56 =	vld.idx.msk [tilespmem:v40+s6+$0x0], $0xffff  }
0xce: {  	v23 =	vand.u32 $0xFFFF0000, v23;
	v17 =	vld [tilespmem:s18+$0x60];
	v21 =	vadd.f32 v30, v21;
	v30 =	vmul.f32 v34, v18  }
0xcf: {  	v59 =	vadd.s32 v14, v12;
	v29 =	vand.u32 $0xFFFF0000, v29;
	v32 =	vmul.f32 v23, v32;
	v23 =	vld.idx.msk [tilespmem:v28+s6+$0x0], $0xffff  }
0xd0: {  	v27 =	vmul.f32 v33, v27;
	v18 =	vld [tilespmem:s18+$0x50];
	v21 =	vadd.f32 v30, v21;
	v30 =	vand.u32 $0x7F80, v59  }
0xd1: {  	v61 =	vand.u32 $0x7F, v15;
	v60 =	vld.idx.msk [tilespmem:v19+s6+$0x0], $0xffff;
	v62 =	vor.u32 v31, v30;
	v31 =	vadd.s32 v14, v15  }
0xd2: {  	v29 =	vmul.f32 v29, v56;
	v30 =	vld.idx.msk [tilespmem:v26+s6+$0x0], $0xffff;
	v27 =	vadd.f32 v27, v21;
	v26 =	vand.u32 $0x7F80, v31  }
0xd3: {  	v19 =	vld [tilespmem:s18+$0x40];
	v31 =	vadd.s32 v14, v20;
	v28 =	vor.u32 v61, v26  }
0xd4: {  	v25 =	vand.u32 $0x7F, v20;
	v21 =	vld [tilespmem:s18+$0x30];
	v31 =	vand.u32 $0x7F80, v31;
	v29 =	vadd.f32 v29, v27  }
0xd5: {  	v63 =	vmov s6;
	v22 =	vand.u32 $0xFFFF0000, v22;
	v27 =	vld [tilespmem:s18+$0xFFFFFF90];
	v26 =	vor.u32 v25, v31  }
0xd6: {  	vm0 =	veq.s32 v63, v6;
	v31 =	vmul.f32 v22, v60;
	v25 =	vadd.f32 v32, v29;
	v22 =	vld.idx.msk [tilespmem:v62+s6+$0x0], $0xffff  }
0xd7: {  	s17 =	simm.s32 $0x1;
	s19 =	simm.s32 $0x2;
	v11 =	vimm.f32 $0.0e+00;
	v24 =	vand.u32 $0xFFFF0000, v24;
	s16 =	sor.u32 $0x10, s13;
	v20 =	vand.u32 $0xFFFF0000, v20;
	v29 =	vld [tilespmem:s18+$0xFFFFFF80]  }
.LBB2_4:
0xd8: {  	p0 =	sne.s32 s19, $0xF;
	v31 =	vadd.f32 v31, v25;
	v35 =	vmul.f32 v24, v30;
	v30 =	vld.idx.msk [tilespmem:v28+s6+$0x0], $0xffff;
	v32 =	vand.u32 $0xFFFF0000, v15;
	v15 =	vmovc v17  }
0xd9: {  	v25 =	vand.u32 $0x7F, v16;
	v33 =	vand.u32 $0xFFFF0000, v13;
	v34 =	vand.u32 $0xFFFF0000, v12;
	v12 =	vmovc v18;
	v13 =	vmovc v19;
	v17 =	vld [tilespmem:s18+$0xFFFFFFA0]  }
0xda: {  	v24 =	vmovc v21;
	v28 =	vand.u32 $0x7F, v15;
	v18 =	vadd.f32 v35, v31;
	v31 =	vmul.f32 v33, v23;
	v33 =	vld.idx.msk [tilespmem:v26+s6+$0x0], $0xffff  }
0xdb: {  	v19 =	vand.u32 $0x7F, v13;
	v21 =	vand.u32 $0x7F, v12;
	v35 =	vand.u32 $0x7F, v24;
	v26 =	vld [tilespmem:s18+$0x20]  }
0xdc: {  	v22 =	vmul.f32 v34, v22;
	v36 =	vadd.s32 v14, v29;
	v23 =	vld [tilespmem:s18+$0x10];
	v18 =	vadd.f32 v31, v18  }
0xdd: {  	v34 =	vand.u32 $0x7F, v29;
	v31 =	vand.u32 $0x7F80, v36;
	v36 =	vadd.s32 v14, v27;
	v37 =	vld [tilespmem:s18+$0xFFFFFFB0]  }
0xde: {  	v31 =	vor.u32 v34, v31;
	v34 =	vld [tilespmem:s18+$0x0];
	v18 =	vadd.f32 v22, v18;
	v22 =	vmul.f32 v32, v30  }
0xdf: {  	v30 =	vand.u32 $0x7F80, v36;
	v32 =	vand.u32 $0x7F, v27;
	v36 =	vadd.s32 v14, v17;
	v38 =	vld [tilespmem:s18+$0xFFFFFFC0]  }
0xe0: {  	v30 =	vor.u32 v32, v30;
	v20 =	vmul.f32 v20, v33;
	v32 =	vld [tilespmem:s18+$0xFFFFFFF0];
	v18 =	vadd.f32 v22, v18  }
0xe1: {  	v33 =	vand.u32 $0x7F, v17;
	v22 =	vand.u32 $0x7F80, v36;
	v39 =	vand.u32 $0x7F, v26;
	v36 =	vld [tilespmem:s18+$0xFFFFFFD0]  }
0xe2: {  	v22 =	vor.u32 v33, v22;
	v33 =	vadd.s32 v14, v37;
	v40 =	vld [tilespmem:s18+$0xFFFFFFE0];
	v18 =	vadd.f32 v20, v18  }
0xe3: {  	v41 =	vadd.s32 v14, v26;
	v20 =	vld.idx.msk [tilespmem:v31+s6+$0x0], $0xffff;
	v31 =	vand.u32 $0x7F80, v33;
	v33 =	vand.u32 $0x7F, v37  }
0xe4: {  	v42 =	vand.u32 $0x7F, v23;
	v31 =	vor.u32 v33, v31;
	v33 =	vadd.s32 v14, v38;
	(xrf2) =	vadd.scan.msk.f32 $0xffff, v18  }
0xe5: {  	v43 =	vadd.s32 v14, v23;
	v18 =	vld.idx.msk [tilespmem:v30+s6+$0x0], $0xffff;
	v30 =	vand.u32 $0x7F80, v33;
	v33 =	vand.u32 $0x7F, v38  }
0xe6: {  	v44 =	vand.u32 $0x7F, v34;
	v30 =	vor.u32 v33, v30;
	v33 =	vadd.s32 v14, v36  }
0xe7: {  	v46 =	vand.u32 $0x7F, v32;
	v45 =	vand.u32 $0x7F, v36;
	v22 =	vld.idx.msk [tilespmem:v22+s6+$0x0], $0xffff;
	v33 =	vand.u32 $0x7F80, v33  }
0xe8: {  	v29 =	vand.u32 $0xFFFF0000, v29;
	v33 =	vor.u32 v45, v33;
	v45 =	vadd.s32 v14, v40  }
0xe9: {  	v20 =	vmul.f32 v29, v20;
	v29 =	vld.idx.msk [tilespmem:v31+s6+$0x0], $0xffff;
	v31 =	vand.u32 $0x7F80, v45;
	v45 =	vand.u32 $0x7F, v40  }
0xea: {  	v27 =	vand.u32 $0xFFFF0000, v27;
	v31 =	vor.u32 v45, v31;
	v45 =	vadd.s32 v14, v32  }
0xeb: {  	v20 =	vadd.f32 $0.0e+00, v20;
	v18 =	vmul.f32 v27, v18;
	v27 =	vld.idx.msk [tilespmem:v30+s6+$0x0], $0xffff;
	v30 =	vand.u32 $0x7F80, v45  }
0xec: {  	v17 =	vand.u32 $0xFFFF0000, v17;
	v45 =	vadd.s32 v14, v34;
	v30 =	vor.u32 v46, v30  }
0xed: {  	v18 =	vadd.f32 v18, v20;
	v17 =	vmul.f32 v17, v22;
	v22 =	vand.u32 $0x7F80, v45;
	v20 =	vld.idx.msk [tilespmem:v33+s6+$0x0], $0xffff  }
0xee: {  	v33 =	vand.u32 $0xFFFF0000, v37;
	v22 =	vor.u32 v44, v22;
	v37 =	vand.u32 $0x7F80, v43;
	v43, _, _ =	vpop (xrf2)  }
0xef: {  	v17 =	vadd.f32 v17, v18;
	v18 =	vmul.f32 v33, v29;
	v29 =	vld.idx.msk [tilespmem:v31+s6+$0x0], $0xffff;
	v31 =	vbroadcast v43, $0xF  }
0xf0: {  	v33 =	vand.u32 $0xFFFF0000, v38;
	v37 =	vor.u32 v42, v37;
	v38 =	vand.u32 $0x7F80, v41  }
0xf1: {  	s18 =	sadd.s32 $0x100, s18;
	v17 =	vadd.f32 v18, v17;
	v18 =	vmul.f32 v33, v27;
	v27 =	vld.idx.msk [tilespmem:v30+s6+$0x0], $0xffff;
	v11 =	vsel vm0, v31, v11  }
0xf2: {  	v30 =	vand.u32 $0xFFFF0000, v36;
	v31 =	vor.u32 v39, v38;
	v36 =	vadd.s32 v14, v24;
	v33 =	vld [tilespmem:s18+$0x70]  }
0xf3: {  	v18 =	vadd.f32 v18, v17;
	v20 =	vmul.f32 v30, v20;
	v30 =	vand.u32 $0x7F80, v36;
	v22 =	vld.idx.msk [tilespmem:v22+s6+$0x0], $0xffff  }
0xf4: {  	v36 =	vand.u32 $0xFFFF0000, v40;
	v30 =	vor.u32 v35, v30;
	v35 =	vadd.s32 v14, v13;
	v17 =	vld [tilespmem:s18+$0x60]  }
0xf5: {  	v20 =	vadd.f32 v20, v18;
	v29 =	vmul.f32 v36, v29;
	v35 =	vand.u32 $0x7F80, v35;
	v36 =	vld.idx.msk [tilespmem:v37+s6+$0x0], $0xffff  }
0xf6: {  	v32 =	vand.u32 $0xFFFF0000, v32;
	v35 =	vor.u32 v19, v35;
	v19 =	vadd.s32 v14, v12;
	v18 =	vld [tilespmem:s18+$0x50]  }
0xf7: {  	v20 =	vadd.f32 v29, v20;
	v27 =	vmul.f32 v32, v27;
	v29 =	vld.idx.msk [tilespmem:v31+s6+$0x0], $0xffff;
	v31 =	vand.u32 $0x7F80, v19  }
0xf8: {  	v32 =	vand.u32 $0xFFFF0000, v34;
	v19 =	vld [tilespmem:s18+$0x40];
	v34 =	vor.u32 v21, v31;
	v21 =	vadd.s32 v14, v15  }
0xf9: {  	v20 =	vadd.f32 v27, v20;
	v22 =	vmul.f32 v32, v22;
	v30 =	vld.idx.msk [tilespmem:v30+s6+$0x0], $0xffff;
	v27 =	vand.u32 $0x7F80, v21  }
.Ltmp1:
0xfa: {  	v23 =	vand.u32 $0xFFFF0000, v23;
	v21 =	vld [tilespmem:s18+$0x30];
	v28 =	vor.u32 v28, v27;
	v27 =	vadd.s32 v14, v16;
	(pc) =	sbr.rel @p0 .LBB2_4-.Ltmp1, $4  }
0xfb: {  	v20 =	vadd.f32 v22, v20;
	v22 =	vmul.f32 v23, v36;
	v23 =	vld.idx.msk [tilespmem:v35+s6+$0x0], $0xffff;
	v31 =	vand.u32 $0x7F80, v27  }
0xfc: {  	v32 =	vand.u32 $0xFFFF0000, v26;
	v27 =	vld [tilespmem:s18+$0xFFFFFF90];
	v26 =	vor.u32 v25, v31  }
0xfd: {  	v25 =	vadd.f32 v22, v20;
	v31 =	vmul.f32 v32, v29;
	v32 =	vmov s17;
	s17 =	smov.u32 s19;
	v22 =	vld.idx.msk [tilespmem:v34+s6+$0x0], $0xffff  }
0xfe: {  	v24 =	vand.u32 $0xFFFF0000, v24;
	s19 =	sadd.s32 $0x1, s19;
	v20 =	vand.u32 $0xFFFF0000, v16;
	v16 =	vmovc v33;
	vm0 =	veq.s32 v32, v6;
	v29 =	vld [tilespmem:s18+$0xFFFFFF80]  }
0xff: {  	_ =	sdelay $0x1  }
0x100: {  	v32 =	vld [tilespmem:s18+$0xFFFFFFA0]  }
0x101: {  	v36 =	vld [tilespmem:s18+$0xFFFFFFB0]  }
0x102: {  	v37 =	vld [tilespmem:s18+$0xFFFFFFC0];
	v25 =	vadd.f32 v31, v25;
	v33 =	vadd.s32 v14, v29  }
0x103: {  	v38 =	vld [tilespmem:s18+$0x0];
	v24 =	vmul.f32 v24, v30;
	v34 =	vand.u32 $0x7F, v29;
	v33 =	vand.u32 $0x7F80, v33  }
0x104: {  	v40 =	vld [tilespmem:s18+$0xFFFFFFD0];
	v35 =	vadd.s32 v14, v27;
	v59 =	vand.u32 $0x7F, v27;
	v33 =	vor.u32 v34, v33  }
0x105: {  	v52 =	vand.u32 $0xFFFF0000, v27;
	v58 =	vand.u32 $0x7F80, v35;
	v39 =	vadd.s32 v14, v32  }
0x106: {  	v44 =	vld [tilespmem:s18+$0xFFFFFFF0];
	v61 =	vand.u32 $0x7F, v32;
	v34 =	vor.u32 v59, v58;
	v60 =	vand.u32 $0x7F80, v39  }
0x107: {  	v49 =	vand.u32 $0xFFFF0000, v29;
	v62 =	vadd.s32 v14, v36;
	v35 =	vor.u32 v61, v60  }
0x108: {  	v41 =	vadd.s32 v14, v37;
	v42 =	vand.u32 $0x7F, v36;
	v43 =	vand.u32 $0x7F, v37;
	v39 =	vld [tilespmem:s18+$0xFFFFFFE0]  }
0x109: {  	v47 =	vadd.s32 v14, v40;
	v48 =	vand.u32 $0x7F, v38;
	v30 =	vand.u32 $0x7F80, v62;
	v63 =	vld.idx.msk [tilespmem:v33+s6+$0x0], $0xffff  }
0x10a: {  	v45 =	vand.u32 $0x7F, v40;
	v41 =	vand.u32 $0x7F80, v41;
	v30 =	vor.u32 v42, v30  }
0x10b: {  	v55 =	vadd.s32 v14, v44;
	v32 =	vand.u32 $0xFFFF0000, v32;
	v41 =	vor.u32 v43, v41;
	v34 =	vld.idx.msk [tilespmem:v34+s6+$0x0], $0xffff  }
0x10c: {  	v56 =	vadd.s32 v14, v38;
	v36 =	vand.u32 $0xFFFF0000, v36;
	v37 =	vand.u32 $0xFFFF0000, v37;
	v35 =	vld.idx.msk [tilespmem:v35+s6+$0x0], $0xffff  }
0x10d: {  	v40 =	vand.u32 $0xFFFF0000, v40;
	v58 =	vand.u32 $0x7F, v44;
	v42 =	vand.u32 $0x7F80, v47  }
0x10e: {  	v50 =	vor.u32 v45, v42;
	v45 =	vld [tilespmem:s18+$0x10];
	v46 =	vadd.s32 v14, v39;
	v29 =	vmul.f32 v49, v63  }
0x10f: {  	v59 =	vand.u32 $0x7F, v21;
	v53 =	vand.u32 $0x7F, v39;
	v51 =	vand.u32 $0x7F80, v46;
	v30 =	vld.idx.msk [tilespmem:v30+s6+$0x0], $0xffff  }
0x110: {  	v41 =	vld.idx.msk [tilespmem:v41+s6+$0x0], $0xffff;
	v54 =	vor.u32 v53, v51;
	v27 =	vmul.f32 v52, v34;
	v29 =	vadd.f32 $0.0e+00, v29  }
0x111: {  	v62 =	vand.u32 $0x7F, v19;
	v42 =	vand.u32 $0x7F80, v55;
	v57 =	vmul.f32 v32, v35;
	v32 =	vld [tilespmem:s18+$0x20]  }
0x112: {  	v46 =	vand.u32 $0x7F80, v56;
	v35 =	vor.u32 v58, v42;
	v27 =	vadd.f32 v27, v29  }
0x113: {  	v55 =	vand.u32 $0xFFFF0000, v44;
	v33 =	vand.u32 $0x7F, v17;
	v43 =	vor.u32 v48, v46;
	v31 =	vld.idx.msk [tilespmem:v50+s6+$0x0], $0xffff  }
0x114: {  	v60 =	vadd.s32 v14, v45;
	v30 =	vmul.f32 v36, v30;
	v27 =	vadd.f32 v57, v27  }
0x115: {  	v61 =	vand.u32 $0x7F, v45;
	v46 =	vand.u32 $0x7F80, v60;
	v37 =	vmul.f32 v37, v41;
	v34 =	vld.idx.msk [tilespmem:v54+s6+$0x0], $0xffff  }
0x116: {  	v29 =	vor.u32 v61, v46;
	v47 =	vadd.s32 v14, v32;
	v27 =	vadd.f32 v30, v27  }
0x117: {  	v49 =	vadd.s32 v14, v21;
	v48 =	vand.u32 $0x7F, v32;
	v35 =	vld.idx.msk [tilespmem:v35+s6+$0x0], $0xffff;
	v30 =	vand.u32 $0x7F80, v47  }
0x118: {  	v31 =	vmul.f32 v40, v31;
	v30 =	vor.u32 v48, v30;
	v27 =	vadd.f32 v37, v27  }
0x119: {  	v39 =	vand.u32 $0xFFFF0000, v39;
	v52 =	vadd.s32 v14, v19;
	v50 =	vand.u32 $0x7F80, v49;
	v51 =	vld.idx.msk [tilespmem:v43+s6+$0x0], $0xffff  }
0x11a: {  	v53 =	vmul.f32 v39, v34;
	v37 =	vor.u32 v59, v50;
	v27 =	vadd.f32 v31, v27  }
0x11b: {  	v56 =	vadd.s32 v14, v18;
	v60 =	vadd.s32 v14, v17;
	v54 =	vand.u32 $0x7F80, v52;
	v29 =	vld.idx.msk [tilespmem:v29+s6+$0x0], $0xffff  }
0x11c: {  	v34 =	vor.u32 v62, v54;
	v57 =	vmul.f32 v55, v35;
	v27 =	vadd.f32 v53, v27  }
0x11d: {  	v63 =	vand.u32 $0x7F, v18;
	v58 =	vand.u32 $0x7F80, v56;
	v59 =	vand.u32 $0xFFFF0000, v38;
	v30 =	vld.idx.msk [tilespmem:v30+s6+$0x0], $0xffff  }
0x11e: {  	v35 =	vor.u32 v63, v58;
	v61 =	vmul.f32 v59, v51;
	v27 =	vadd.f32 v57, v27  }
0x11f: {  	v42 =	vand.u32 $0xFFFF0000, v45;
	v43 =	vadd.s32 v14, v16;
	v62 =	vand.u32 $0x7F80, v60;
	v37 =	vld.idx.msk [tilespmem:v37+s6+$0x0], $0xffff  }
0x120: {  	v33 =	vor.u32 v33, v62;
	v29 =	vmul.f32 v42, v29;
	v27 =	vadd.f32 v61, v27  }
0x121: {  	v14 =	vand.u32 $0x7F80, v43;
	v32 =	vand.u32 $0xFFFF0000, v32;
	v63 =	vand.u32 $0x7F, v16;
	v44 =	vld.idx.msk [tilespmem:v34+s6+$0x0], $0xffff  }
0x122: {  	v28 =	vld.idx.msk [tilespmem:v28+s6+$0x0], $0xffff;
	v14 =	vor.u32 v63, v14;
	v45 =	vmul.f32 v32, v30;
	v27 =	vadd.f32 v29, v27  }
0x123: {  	v13 =	vand.u32 $0xFFFF0000, v13;
	v47 =	vand.u32 $0xFFFF0000, v21;
	v46 =	vld.idx.msk [tilespmem:v35+s6+$0x0], $0xffff  }
0x124: {  	v12 =	vand.u32 $0xFFFF0000, v12;
	v21 =	vmul.f32 v47, v37;
	v49 =	vadd.f32 v45, v27  }
0x125: {  	v13 =	vmul.f32 v13, v23;
	v24 =	vadd.f32 v24, v25;
	v51 =	vand.u32 $0xFFFF0000, v19;
	v50 =	vld.idx.msk [tilespmem:v33+s6+$0x0], $0xffff  }
0x126: {  	v15 =	vand.u32 $0xFFFF0000, v15;
	v48 =	vld.idx.msk [tilespmem:v26+s6+$0x0], $0xffff;
	v19 =	vmul.f32 v51, v44;
	v21 =	vadd.f32 v21, v49  }
0x127: {  	v12 =	vmul.f32 v12, v22;
	v13 =	vadd.f32 v13, v24;
	v53 =	vand.u32 $0xFFFF0000, v18;
	v14 =	vld.idx.msk [tilespmem:v14+s6+$0x0], $0xffff  }
0x128: {  	v52 =	vmul.f32 v15, v28;
	v15 =	vmul.f32 v53, v46;
	v54 =	vadd.f32 v19, v21  }
0x129: {  	v12 =	vadd.f32 v12, v13;
	v55 =	vand.u32 $0xFFFF0000, v17  }
0x12a: {  	v13 =	vmul.f32 v55, v50;
	v15 =	vadd.f32 v15, v54  }
0x12b: {  	v12 =	vadd.f32 v52, v12;
	v56 =	vmul.f32 v20, v48;
	v57 =	vand.u32 $0xFFFF0000, v16  }
0x12c: {  	v14 =	vmul.f32 v57, v14;
	v13 =	vadd.f32 v13, v15  }
0x12d: {  	v12 =	vadd.f32 v56, v12  }
0x12e: {  	v58 =	vadd.f32 v14, v13  }
0x12f: {  	(xrf2) =	vadd.scan.msk.f32 $0xffff, v12  }
0x130: {  	(xrf2) =	vadd.scan.msk.f32 $0xffff, v58;
	_ =	sdelay $0x8  }
0x131: {  	v10 =	vmul.f32 v10, v10;
	v59, _, _ =	vpop (xrf2)  }
0x132: {  	v12 =	vbroadcast v59, $0xF;
	v60, _, _ =	vpop (xrf2)  }
0x133: {  	v62 =	vadd.f32 v10, v0;
	v61 =	vmov s17;
	v13 =	vbroadcast v60, $0xF  }
0x134: {  	v63 =	vmul.f32 v9, v1;
	vm15 =	veq.s32 v61, v6;
	v11 =	vsel vm0, v12, v11  }
0x135: {  	v10 =	vsel vm15, v13, v11  }
0x136: {  	v9 =	vmul.f32 $3.141592600e+01, v9;
	v12 =	vadd.f32 v62, v63;
	v11 =	vmul.f32 v10, v2;
	_ =	sdelay $0x1  }
0x137: {  	v9 =	vmul.f32 v9, v9;
	v11 =	vadd.f32 v11, v12;
	_ =	sdelay $0x1  }
0x138: {  	v9 =	vsub.f32 v11, v9;
	_ =	sdelay $0x1  }
0x139: {  	v9 =	vmul.f32 v9, v5;
	_ =	sdelay $0x1  }
0x13a: {  	v8 =	vadd.f32 v9, v8  }
0x13b: {  	_ =	swait.ge [sflag:s8], $0x10  }
0x13c: {  	[sflag:s8] =	ssyncset.done $0x0;
	v8 =	vmul.f32 $5.000000070e-02, v8  }
0x13d: {  	s15 =	sand.u32 $0x7F00, s15;
	[sflag:s8] =	ssyncadd.s32 $0xFFFFFFF0  }
0x13e: {  	s14 =	sadd.s32 s14, s2;
	p0 =	sne.s32 s12, $0x3E8;
	[bflag:$0x0] =	sbarrier.arrive $0xFFFF;
	v4 =	vadd.f32 v8, v4  }
0x13f: {  	[tilespmem:s15], [sflag:$0x2] =	stream.strided.gather [spmem:s14], $0x100, s10, s9, $0x38;
	[tilespmem:$0x18B20] =	vst v63  }
.Ltmp2:
0x140: {  	_ =	swait.ge [sflag:s11], $0x100;
	v4 =	vadd.f32 v4, v7;
	(pc) =	sbr.rel @p0 .LBB2_3-.Ltmp2, $4  }
0x141: {  	[sflag:s11] =	ssyncset.done $0x0  }
0x142: {  	[sflag:s11] =	ssyncadd.s32 $0xFFFFFF00;
	v4 =	vmax.f32 v4, $-6.000000000e+01  }
0x143: {  	[tilespmem:s13+$0x10D00] =	vst v3;
	v4 =	vmin.f32 v4, $6.000000000e+01  }
0x144: {  	[tilespmem:s16+$0x10D00] =	vst v4  }
0x145: {  	s2 =	sadd.s32 s4, s3;
	s29 =	simm.s32 $0x80  }
0x146: {  	s30 =	simm.s32 $0x400;
	s5 =	simm.s32 $0x10D00;
	s31 =	simm.s32 $0x2  }
0x147: {  	[hbm4b:s2+s29] =	stream.strided.scatter [tilespmem:s5], [sflag:$0x2], $0x7D00, s30, s29, $0x38;
	[tilespmem:$0x18B20] =	vst v63  }
0x148: {  	_ =	swait.ge [sflag:s31], $0x7D00  }
0x149: {  	[sflag:s31] =	ssyncset.done $0x0  }
0x14a: {  	[sflag:s31] =	ssyncadd.s32 $0xFFFF8300  }
0x14b: {  	_ =	sfence.sel $0x180000  }
0x14c: {  	[bflag:$0x0] =	sbarrier.arrive $0xFFFF  }
0x14d: {  	p0 =	sne.s32 s0, $0x0;
	_ =	strace $0x90000047  }
0x14e: {  	s0 =	sadd.s32 @!p0 $0x100000, s1;
	[bflag:$0x2] =	sbarrier.arrive $0xFFFF  }
0x14f: {  	[sflag:s0] =	ssyncadd.tile.s32 @!p0 $0x1;
	_ =	shalt  }
.Lfunc_end2:
_tile_overlayer_lowered:
.L_overlay_start_2:
0x150: {  	(tag) =	ssettag $0x2  }
0x151: {  	s0 =	rddreg [dreg:$0x0];
	s2 =	stileid.u32  }
0x152: {  	s1 =	rddreg [dreg:$0x1];
	p0 =	sne.s32 s2, $0x0  }
0x153: {  	s3 =	rddreg [dreg:$0x2];
	[bflag:$0x3] =	sbarrier.arrive $0xFFFF;
	s2 =	simm.s32 @!p0 $0x1C02  }
0x154: {  	[timem:s3], [sflag:s2] =	dma.local @!p0 [hbm:s0], s1  }
0x155: {  	s0 =	simm.s32 @!p0 $0x2  }
0x156: {  	_ =	swait.ge @!p0 [sflag:s0], s1  }
0x157: {  	s1 =	ssub.s32 @!p0 $0x0, s1;
	[sflag:s0] =	ssyncset.done @!p0 $0x0  }
0x158: {  	[sflag:s0] =	ssyncadd.s32 @!p0 s1  }
0x159: {  	[bflag:$0x3] =	sbarrier.arrive $0xFFFF  }
0x15a: {  	_ =	shalt  }

</sc_bundles>
